<compile_context>
chip_gen: v7x
topology: tpu7x:2x2x1
jax: 0.10.2.dev20260603
libtpu: 0.0.44.dev20260713+nightly
codegen_flags: <defaults>
</compile_context>

<pallas_src>
import functools

import jax
import jax.numpy as jnp
import numpy as np
from jax import lax
from jax.experimental import pallas as pl
from jax.experimental.pallas import tpu as pltpu
from jax.experimental.pallas import tpu_sc as plsc

D_MODEL = 128
VOCAB = 1000
SCALE = np.sqrt(np.float32(D_MODEL)).astype(np.float32)

NUM_CORES = 2
NUM_SUBCORES = 16
NUM_WORKERS = NUM_CORES * NUM_SUBCORES
CHUNK = 128
LANES = 16
ROWS_A = 64
NBUF = 4


def _embed_kernel(batch: int, hist: int):
    cols_per_w = batch // NUM_WORKERS
    mesh = plsc.VectorSubcoreMesh(core_axis_name="c", subcore_axis_name="s")

    @functools.partial(
        pl.kernel,
        out_type=jax.ShapeDtypeStruct((batch * hist, D_MODEL), jnp.float32),
        mesh=mesh,
        compiler_params=pltpu.CompilerParams(use_tc_tiling_on_sc=True),
        scratch_types=[
            pltpu.VMEM_SHARED((VOCAB, D_MODEL), jnp.float32),
            pltpu.VMEM((hist, cols_per_w), jnp.int32),
        ]
        + [pltpu.VMEM((CHUNK, D_MODEL), jnp.float32)] * NBUF
        + [pltpu.SemaphoreType.DMA] * (2 * NBUF + 1),
    )
    def k(x_hbm, table_hbm, out_hbm, tbl_sh, idx_v, r0, r1, r2, r3,
          g0, g1, g2, g3, s0, s1, s2, s3, isem):
        cid = lax.axis_index("c")
        sid = lax.axis_index("s")
        wid = sid * NUM_CORES + cid
        cbase = wid * cols_per_w
        rows = (r0, r1, r2, r3)
        gsem = (g0, g1, g2, g3)
        ssem = (s0, s1, s2, s3)

        idx_copy = pltpu.async_copy(
            x_hbm.at[:, pl.ds(cbase, cols_per_w)], idx_v, isem)

        abase = jnp.minimum(sid * ROWS_A, VOCAB - ROWS_A)
        stage = r0.at[pl.ds(0, ROWS_A)]
        pltpu.sync_copy(table_hbm.at[pl.ds(abase, ROWS_A)], stage)

        def scale_body(i, c):
            for jj in range(D_MODEL // LANES):
                sl = pl.ds(jj * LANES, LANES)
                r0[i, sl] = r0[i, sl] * SCALE
            return c

        lax.fori_loop(0, ROWS_A, scale_body, 0)
        pltpu.sync_copy(stage, tbl_sh.at[pl.ds(abase, ROWS_A)])
        idx_copy.wait()
        plsc.subcore_barrier()

        def fire_gather(h, sub, b):
            pltpu.async_copy(
                tbl_sh.at[idx_v.at[h, pl.ds(sub * CHUNK, CHUNK)]],
                rows[b], gsem[b])

        def wait_gather(b):
            pltpu.make_async_copy(
                tbl_sh.at[idx_v.at[0, pl.ds(0, CHUNK)]], rows[b],
                gsem[b]).wait()

        def fire_store(h, sub, b):
            pltpu.async_copy(
                rows[b],
                out_hbm.at[pl.ds(h * batch + cbase + sub * CHUNK, CHUNK)],
                ssem[b])

        def wait_store(b):
            pltpu.make_async_copy(
                rows[b], out_hbm.at[pl.ds(cbase, CHUNK)], ssem[b]).wait()

        def step(h, sub, fire_ahead=True, drain=True):
            nb = (sub + 2) % NBUF
            if fire_ahead:
                if drain:
                    wait_store(nb)
                fire_gather(h + (1 if sub >= 2 else 0), nb, nb)
            wait_gather(sub)
            fire_store(h, sub, sub)

        fire_gather(0, 0, 0)
        fire_gather(0, 1, 1)
        step(0, 0, drain=False)
        step(0, 1, drain=False)
        step(0, 2)
        step(0, 3)

        def quad_body(h, c):
            step(h, 0)
            step(h, 1)
            step(h, 2)
            step(h, 3)
            return c

        lax.fori_loop(1, hist - 1, quad_body, 0)

        step(hist - 1, 0)
        step(hist - 1, 1)
        step(hist - 1, 2, fire_ahead=False)
        step(hist - 1, 3, fire_ahead=False)
        for b in range(NBUF):
            wait_store(b)

    return k


@jax.jit
def kernel(x, table):
    b, h = x.shape
    out = _embed_kernel(b, h)(x.T, table)
    return out.reshape(h, b, D_MODEL).transpose(1, 0, 2)

# --- scband reference (transcript-rebuilt; emitter-appended) ---
"""Pipeline reference for scband-embedding-81716047774117 (READ-ONLY COPY).

The authoritative reference and input builder live on the scoring server;
editing this copy changes nothing except your own understanding.
"""

import jax, jax.numpy as jnp
import numpy as np

D_MODEL = 128
VOCAB = 1000
BATCH = 16384
HIST = 50


def setup_inputs(seed: int = 0) -> dict:
    key = jax.random.key(seed)
    k1, k2 = jax.random.split(key)
    x = jax.random.randint(k1, (BATCH, HIST), 0, VOCAB, dtype=jnp.int32)
    table = jax.random.normal(k2, (VOCAB, D_MODEL), dtype=jnp.float32)
    return {"x": x, "table": table}


def reference(x, table):
    # Faithful translation of Embedding.forward:
    #   out = self.embedding(x) * math.sqrt(self.d_model)
    out = jnp.take(table, x, axis=0) * np.sqrt(float(D_MODEL)).astype(np.float32)
    return out

if __name__ == "__main__":
    import jax
    _d = setup_inputs()
    print(jax.jit(kernel)(*tuple(_d.values())))

</pallas_src>

<mosaic_0001>
#map = affine_map<(d0, d1) -> (0, 0)>
module attributes {stable_mosaic.version = 14 : i64} {
  func.func @k(%arg0: i32, %arg1: i32, %arg2: memref<50x16384xi32, #tpu.memory_space<hbm>>, %arg3: memref<1000x128xf32, #tpu.memory_space<hbm>>, %arg4: memref<819200x128xf32, #tpu.memory_space<hbm>>, %arg5: memref<1000x128xf32, #tpu.memory_space<vmem_shared>>, %arg6: memref<50x512xi32, #tpu.memory_space<vmem>>, %arg7: memref<128x128xf32, #tpu.memory_space<vmem>>, %arg8: memref<128x128xf32, #tpu.memory_space<vmem>>, %arg9: memref<128x128xf32, #tpu.memory_space<vmem>>, %arg10: memref<128x128xf32, #tpu.memory_space<vmem>>, %arg11: memref<!tpu.dma_semaphore, #tpu.memory_space<semaphore_mem>>, %arg12: memref<!tpu.dma_semaphore, #tpu.memory_space<semaphore_mem>>, %arg13: memref<!tpu.dma_semaphore, #tpu.memory_space<semaphore_mem>>, %arg14: memref<!tpu.dma_semaphore, #tpu.memory_space<semaphore_mem>>, %arg15: memref<!tpu.dma_semaphore, #tpu.memory_space<semaphore_mem>>, %arg16: memref<!tpu.dma_semaphore, #tpu.memory_space<semaphore_mem>>, %arg17: memref<!tpu.dma_semaphore, #tpu.memory_space<semaphore_mem>>, %arg18: memref<!tpu.dma_semaphore, #tpu.memory_space<semaphore_mem>>, %arg19: memref<!tpu.dma_semaphore, #tpu.memory_space<semaphore_mem>>) attributes {dimension_semantics = [#tpu.dimension_semantics<core_parallel>, #tpu.dimension_semantics<subcore_parallel>], iteration_bounds = array<i64: 2, 16>, scalar_prefetch = 0 : i64, scratch_operands = 15 : i64, tpu.core_type = #tpu.core_type<sc_vector_subcore>, window_params = [{transform_indices = #map}, {transform_indices = #map}, {transform_indices = #map}]} {
    %mul3A = arith.constant 2 : i32
    %mul3A_0 = arith.muli %arg1, %mul3A : i32
    %add3A = arith.addi %mul3A_0, %arg0 : i32
    %mul3A_1 = arith.constant 512 : i32
    %mul3A_2 = arith.muli %add3A, %mul3A_1 : i32
    %dma_start3A = arith.constant 0 : i32
    %dma_start3A_3 = tpu.memref_slice %arg2[%dma_start3A, %mul3A_2] : memref<50x16384xi32, #tpu.memory_space<hbm>> -> memref<50x512xi32, #tpu.memory_space<hbm>>
    %dma_start3A_4 = arith.constant 0 : i32
    %dma_start3A_5 = tpu.memref_slice %arg2[%dma_start3A_4, %mul3A_2] : memref<50x16384xi32, #tpu.memory_space<hbm>> -> memref<50x512xi32, #tpu.memory_space<hbm>>
    tpu.enqueue_dma source(%dma_start3A_5 : memref<50x512xi32, #tpu.memory_space<hbm>>) target(%arg6 : memref<50x512xi32, #tpu.memory_space<vmem>>) target_semaphore(%arg19 : memref<!tpu.dma_semaphore, #tpu.memory_space<semaphore_mem>>)
    %mul3A_6 = arith.constant 64 : i32
    %mul3A_7 = arith.muli %arg1, %mul3A_6 : i32
    %min3A = arith.constant 936 : i32
    %min3A_8 = arith.minsi %mul3A_7, %min3A : i32
    "tpu.region"() ({
      %run_scoped3A = tpu.sem_alloc : memref<!tpu.dma_semaphore, #tpu.memory_space<semaphore_mem>>
      %dma_start3A_231 = arith.constant 0 : i32
      %dma_start3A_232 = arith.constant 0 : i32
      %dma_start3A_233 = tpu.memref_slice %arg7[%dma_start3A_231, %dma_start3A_232] : memref<128x128xf32, #tpu.memory_space<vmem>> -> memref<64x128xf32, #tpu.memory_space<vmem>>
      %dma_start3A_234 = arith.constant 0 : i32
      %dma_start3A_235 = tpu.memref_slice %arg3[%min3A_8, %dma_start3A_234] : memref<1000x128xf32, #tpu.memory_space<hbm>> -> memref<64x128xf32, #tpu.memory_space<hbm>>
      %dma_start3A_236 = arith.constant 0 : i32
      %dma_start3A_237 = arith.constant 0 : i32
      %dma_start3A_238 = tpu.memref_slice %arg7[%dma_start3A_236, %dma_start3A_237] : memref<128x128xf32, #tpu.memory_space<vmem>> -> memref<64x128xf32, #tpu.memory_space<vmem>>
      %dma_start3A_239 = arith.constant 0 : i32
      %dma_start3A_240 = tpu.memref_slice %arg3[%min3A_8, %dma_start3A_239] : memref<1000x128xf32, #tpu.memory_space<hbm>> -> memref<64x128xf32, #tpu.memory_space<hbm>>
      tpu.enqueue_dma source(%dma_start3A_240 : memref<64x128xf32, #tpu.memory_space<hbm>>) target(%dma_start3A_238 : memref<64x128xf32, #tpu.memory_space<vmem>>) target_semaphore(%run_scoped3A : memref<!tpu.dma_semaphore, #tpu.memory_space<semaphore_mem>>)
      %dma_wait3A_241 = arith.constant 0 : i32
      %dma_wait3A_242 = arith.constant 0 : i32
      %dma_wait3A_243 = tpu.memref_slice %arg7[%dma_wait3A_241, %dma_wait3A_242] : memref<128x128xf32, #tpu.memory_space<vmem>> -> memref<64x128xf32, #tpu.memory_space<vmem>>
      %dma_wait3A_244 = arith.constant 0 : i32
      %dma_wait3A_245 = tpu.memref_slice %arg3[%min3A_8, %dma_wait3A_244] : memref<1000x128xf32, #tpu.memory_space<hbm>> -> memref<64x128xf32, #tpu.memory_space<hbm>>
      %dma_wait3A_246 = arith.constant 0 : i32
      %dma_wait3A_247 = arith.constant 0 : i32
      %dma_wait3A_248 = tpu.memref_slice %arg7[%dma_wait3A_246, %dma_wait3A_247] : memref<128x128xf32, #tpu.memory_space<vmem>> -> memref<64x128xf32, #tpu.memory_space<vmem>>
      %dma_wait3A_249 = arith.constant 0 : i32
      %dma_wait3A_250 = tpu.memref_slice %arg3[%min3A_8, %dma_wait3A_249] : memref<1000x128xf32, #tpu.memory_space<hbm>> -> memref<64x128xf32, #tpu.memory_space<hbm>>
      tpu.wait_dma2 semaphore(%run_scoped3A : memref<!tpu.dma_semaphore, #tpu.memory_space<semaphore_mem>>) src(%dma_wait3A_250 : memref<64x128xf32, #tpu.memory_space<hbm>>) dst(%dma_wait3A_248 : memref<64x128xf32, #tpu.memory_space<vmem>>)
      tpu.yield
    }) : () -> ()
    %scan3A = arith.constant 0 : i32
    %scan3A_9 = arith.constant 0 : i32
    %scan3A_10 = arith.constant 64 : i32
    %scan3A_11 = arith.addi %scan3A_9, %scan3A_10 : i32
    %scan3A_12 = arith.constant 1 : i32
    scf.for %scan3A_231 = %scan3A_9 to %scan3A_11 step %scan3A_12  : i32 {
      %get3A = arith.index_cast %scan3A_231 : i32 to index
      %get3A_232 = arith.constant 0 : index
      %get3A_233 = tpu.vector_load %arg7[%get3A, %get3A_232] {strides = array<i32>} : memref<128x128xf32, #tpu.memory_space<vmem>>, vector<1x16xf32>,
      %get3A_234 = vector.shape_cast %get3A_233 : vector<1x16xf32> to vector<16xf32>
      %mul3A_235 = arith.constant 11.3137083 : f32
      %mul3A_236 = vector.broadcast %mul3A_235 : f32 to vector<16xf32>
      %mul3A_237 = arith.mulf %get3A_234, %mul3A_236 : vector<16xf32>
      %swap3A = arith.index_cast %scan3A_231 : i32 to index
      %swap3A_238 = arith.constant 0 : index
      %swap3A_239 = tpu.vector_load %arg7[%swap3A, %swap3A_238] {strides = array<i32>} : memref<128x128xf32, #tpu.memory_space<vmem>>, vector<1x16xf32>,
      %swap3A_240 = vector.shape_cast %swap3A_239 : vector<1x16xf32> to vector<16xf32>
      %swap3A_241 = vector.shape_cast %mul3A_237 : vector<16xf32> to vector<1x16xf32>
      tpu.vector_store %arg7[%swap3A, %swap3A_238], %swap3A_241 {strides = array<i32>} : memref<128x128xf32, #tpu.memory_space<vmem>>, vector<1x16xf32>,
      %get3A_242 = arith.index_cast %scan3A_231 : i32 to index
      %get3A_243 = arith.constant 16 : index
      %get3A_244 = tpu.vector_load %arg7[%get3A_242, %get3A_243] {strides = array<i32>} : memref<128x128xf32, #tpu.memory_space<vmem>>, vector<1x16xf32>,
      %get3A_245 = vector.shape_cast %get3A_244 : vector<1x16xf32> to vector<16xf32>
      %mul3A_246 = arith.constant 11.3137083 : f32
      %mul3A_247 = vector.broadcast %mul3A_246 : f32 to vector<16xf32>
      %mul3A_248 = arith.mulf %get3A_245, %mul3A_247 : vector<16xf32>
      %swap3A_249 = arith.index_cast %scan3A_231 : i32 to index
      %swap3A_250 = arith.constant 16 : index
      %swap3A_251 = tpu.vector_load %arg7[%swap3A_249, %swap3A_250] {strides = array<i32>} : memref<128x128xf32, #tpu.memory_space<vmem>>, vector<1x16xf32>,
      %swap3A_252 = vector.shape_cast %swap3A_251 : vector<1x16xf32> to vector<16xf32>
      %swap3A_253 = vector.shape_cast %mul3A_248 : vector<16xf32> to vector<1x16xf32>
      tpu.vector_store %arg7[%swap3A_249, %swap3A_250], %swap3A_253 {strides = array<i32>} : memref<128x128xf32, #tpu.memory_space<vmem>>, vector<1x16xf32>,
      %get3A_254 = arith.index_cast %scan3A_231 : i32 to index
      %get3A_255 = arith.constant 32 : index
      %get3A_256 = tpu.vector_load %arg7[%get3A_254, %get3A_255] {strides = array<i32>} : memref<128x128xf32, #tpu.memory_space<vmem>>, vector<1x16xf32>,
      %get3A_257 = vector.shape_cast %get3A_256 : vector<1x16xf32> to vector<16xf32>
      %mul3A_258 = arith.constant 11.3137083 : f32
      %mul3A_259 = vector.broadcast %mul3A_258 : f32 to vector<16xf32>
      %mul3A_260 = arith.mulf %get3A_257, %mul3A_259 : vector<16xf32>
      %swap3A_261 = arith.index_cast %scan3A_231 : i32 to index
      %swap3A_262 = arith.constant 32 : index
      %swap3A_263 = tpu.vector_load %arg7[%swap3A_261, %swap3A_262] {strides = array<i32>} : memref<128x128xf32, #tpu.memory_space<vmem>>, vector<1x16xf32>,
      %swap3A_264 = vector.shape_cast %swap3A_263 : vector<1x16xf32> to vector<16xf32>
      %swap3A_265 = vector.shape_cast %mul3A_260 : vector<16xf32> to vector<1x16xf32>
      tpu.vector_store %arg7[%swap3A_261, %swap3A_262], %swap3A_265 {strides = array<i32>} : memref<128x128xf32, #tpu.memory_space<vmem>>, vector<1x16xf32>,
      %get3A_266 = arith.index_cast %scan3A_231 : i32 to index
      %get3A_267 = arith.constant 48 : index
      %get3A_268 = tpu.vector_load %arg7[%get3A_266, %get3A_267] {strides = array<i32>} : memref<128x128xf32, #tpu.memory_space<vmem>>, vector<1x16xf32>,
      %get3A_269 = vector.shape_cast %get3A_268 : vector<1x16xf32> to vector<16xf32>
      %mul3A_270 = arith.constant 11.3137083 : f32
      %mul3A_271 = vector.broadcast %mul3A_270 : f32 to vector<16xf32>
      %mul3A_272 = arith.mulf %get3A_269, %mul3A_271 : vector<16xf32>
      %swap3A_273 = arith.index_cast %scan3A_231 : i32 to index
      %swap3A_274 = arith.constant 48 : index
      %swap3A_275 = tpu.vector_load %arg7[%swap3A_273, %swap3A_274] {strides = array<i32>} : memref<128x128xf32, #tpu.memory_space<vmem>>, vector<1x16xf32>,
      %swap3A_276 = vector.shape_cast %swap3A_275 : vector<1x16xf32> to vector<16xf32>
      %swap3A_277 = vector.shape_cast %mul3A_272 : vector<16xf32> to vector<1x16xf32>
      tpu.vector_store %arg7[%swap3A_273, %swap3A_274], %swap3A_277 {strides = array<i32>} : memref<128x128xf32, #tpu.memory_space<vmem>>, vector<1x16xf32>,
      %get3A_278 = arith.index_cast %scan3A_231 : i32 to index
      %get3A_279 = arith.constant 64 : index
      %get3A_280 = tpu.vector_load %arg7[%get3A_278, %get3A_279] {strides = array<i32>} : memref<128x128xf32, #tpu.memory_space<vmem>>, vector<1x16xf32>,
      %get3A_281 = vector.shape_cast %get3A_280 : vector<1x16xf32> to vector<16xf32>
      %mul3A_282 = arith.constant 11.3137083 : f32
      %mul3A_283 = vector.broadcast %mul3A_282 : f32 to vector<16xf32>
      %mul3A_284 = arith.mulf %get3A_281, %mul3A_283 : vector<16xf32>
      %swap3A_285 = arith.index_cast %scan3A_231 : i32 to index
      %swap3A_286 = arith.constant 64 : index
      %swap3A_287 = tpu.vector_load %arg7[%swap3A_285, %swap3A_286] {strides = array<i32>} : memref<128x128xf32, #tpu.memory_space<vmem>>, vector<1x16xf32>,
      %swap3A_288 = vector.shape_cast %swap3A_287 : vector<1x16xf32> to vector<16xf32>
      %swap3A_289 = vector.shape_cast %mul3A_284 : vector<16xf32> to vector<1x16xf32>
      tpu.vector_store %arg7[%swap3A_285, %swap3A_286], %swap3A_289 {strides = array<i32>} : memref<128x128xf32, #tpu.memory_space<vmem>>, vector<1x16xf32>,
      %get3A_290 = arith.index_cast %scan3A_231 : i32 to index
      %get3A_291 = arith.constant 80 : index
      %get3A_292 = tpu.vector_load %arg7[%get3A_290, %get3A_291] {strides = array<i32>} : memref<128x128xf32, #tpu.memory_space<vmem>>, vector<1x16xf32>,
      %get3A_293 = vector.shape_cast %get3A_292 : vector<1x16xf32> to vector<16xf32>
      %mul3A_294 = arith.constant 11.3137083 : f32
      %mul3A_295 = vector.broadcast %mul3A_294 : f32 to vector<16xf32>
      %mul3A_296 = arith.mulf %get3A_293, %mul3A_295 : vector<16xf32>
      %swap3A_297 = arith.index_cast %scan3A_231 : i32 to index
      %swap3A_298 = arith.constant 80 : index
      %swap3A_299 = tpu.vector_load %arg7[%swap3A_297, %swap3A_298] {strides = array<i32>} : memref<128x128xf32, #tpu.memory_space<vmem>>, vector<1x16xf32>,
      %swap3A_300 = vector.shape_cast %swap3A_299 : vector<1x16xf32> to vector<16xf32>
      %swap3A_301 = vector.shape_cast %mul3A_296 : vector<16xf32> to vector<1x16xf32>
      tpu.vector_store %arg7[%swap3A_297, %swap3A_298], %swap3A_301 {strides = array<i32>} : memref<128x128xf32, #tpu.memory_space<vmem>>, vector<1x16xf32>,
      %get3A_302 = arith.index_cast %scan3A_231 : i32 to index
      %get3A_303 = arith.constant 96 : index
      %get3A_304 = tpu.vector_load %arg7[%get3A_302, %get3A_303] {strides = array<i32>} : memref<128x128xf32, #tpu.memory_space<vmem>>, vector<1x16xf32>,
      %get3A_305 = vector.shape_cast %get3A_304 : vector<1x16xf32> to vector<16xf32>
      %mul3A_306 = arith.constant 11.3137083 : f32
      %mul3A_307 = vector.broadcast %mul3A_306 : f32 to vector<16xf32>
      %mul3A_308 = arith.mulf %get3A_305, %mul3A_307 : vector<16xf32>
      %swap3A_309 = arith.index_cast %scan3A_231 : i32 to index
      %swap3A_310 = arith.constant 96 : index
      %swap3A_311 = tpu.vector_load %arg7[%swap3A_309, %swap3A_310] {strides = array<i32>} : memref<128x128xf32, #tpu.memory_space<vmem>>, vector<1x16xf32>,
      %swap3A_312 = vector.shape_cast %swap3A_311 : vector<1x16xf32> to vector<16xf32>
      %swap3A_313 = vector.shape_cast %mul3A_308 : vector<16xf32> to vector<1x16xf32>
      tpu.vector_store %arg7[%swap3A_309, %swap3A_310], %swap3A_313 {strides = array<i32>} : memref<128x128xf32, #tpu.memory_space<vmem>>, vector<1x16xf32>,
      %get3A_314 = arith.index_cast %scan3A_231 : i32 to index
      %get3A_315 = arith.constant 112 : index
      %get3A_316 = tpu.vector_load %arg7[%get3A_314, %get3A_315] {strides = array<i32>} : memref<128x128xf32, #tpu.memory_space<vmem>>, vector<1x16xf32>,
      %get3A_317 = vector.shape_cast %get3A_316 : vector<1x16xf32> to vector<16xf32>
      %mul3A_318 = arith.constant 11.3137083 : f32
      %mul3A_319 = vector.broadcast %mul3A_318 : f32 to vector<16xf32>
      %mul3A_320 = arith.mulf %get3A_317, %mul3A_319 : vector<16xf32>
      %swap3A_321 = arith.index_cast %scan3A_231 : i32 to index
      %swap3A_322 = arith.constant 112 : index
      %swap3A_323 = tpu.vector_load %arg7[%swap3A_321, %swap3A_322] {strides = array<i32>} : memref<128x128xf32, #tpu.memory_space<vmem>>, vector<1x16xf32>,
      %swap3A_324 = vector.shape_cast %swap3A_323 : vector<1x16xf32> to vector<16xf32>
      %swap3A_325 = vector.shape_cast %mul3A_320 : vector<16xf32> to vector<1x16xf32>
      tpu.vector_store %arg7[%swap3A_321, %swap3A_322], %swap3A_325 {strides = array<i32>} : memref<128x128xf32, #tpu.memory_space<vmem>>, vector<1x16xf32>,
    }
    %scan3A_13 = arith.constant 64 : i32
    "tpu.region"() ({
      %run_scoped3A = tpu.sem_alloc : memref<!tpu.dma_semaphore, #tpu.memory_space<semaphore_mem>>
      %dma_start3A_231 = arith.constant 0 : i32
      %dma_start3A_232 = arith.constant 0 : i32
      %dma_start3A_233 = tpu.memref_slice %arg7[%dma_start3A_231, %dma_start3A_232] : memref<128x128xf32, #tpu.memory_space<vmem>> -> memref<64x128xf32, #tpu.memory_space<vmem>>
      %dma_start3A_234 = arith.constant 0 : i32
      %dma_start3A_235 = tpu.memref_slice %arg5[%min3A_8, %dma_start3A_234] : memref<1000x128xf32, #tpu.memory_space<vmem_shared>> -> memref<64x128xf32, #tpu.memory_space<vmem_shared>>
      %dma_start3A_236 = arith.constant 0 : i32
      %dma_start3A_237 = tpu.memref_slice %arg5[%min3A_8, %dma_start3A_236] : memref<1000x128xf32, #tpu.memory_space<vmem_shared>> -> memref<64x128xf32, #tpu.memory_space<vmem_shared>>
      %dma_start3A_238 = arith.constant 0 : i32
      %dma_start3A_239 = arith.constant 0 : i32
      %dma_start3A_240 = tpu.memref_slice %arg7[%dma_start3A_238, %dma_start3A_239] : memref<128x128xf32, #tpu.memory_space<vmem>> -> memref<64x128xf32, #tpu.memory_space<vmem>>
      tpu.enqueue_dma source(%dma_start3A_240 : memref<64x128xf32, #tpu.memory_space<vmem>>) target(%dma_start3A_237 : memref<64x128xf32, #tpu.memory_space<vmem_shared>>) target_semaphore(%run_scoped3A : memref<!tpu.dma_semaphore, #tpu.memory_space<semaphore_mem>>)
      %dma_wait3A_241 = arith.constant 0 : i32
      %dma_wait3A_242 = arith.constant 0 : i32
      %dma_wait3A_243 = tpu.memref_slice %arg7[%dma_wait3A_241, %dma_wait3A_242] : memref<128x128xf32, #tpu.memory_space<vmem>> -> memref<64x128xf32, #tpu.memory_space<vmem>>
      %dma_wait3A_244 = arith.constant 0 : i32
      %dma_wait3A_245 = tpu.memref_slice %arg5[%min3A_8, %dma_wait3A_244] : memref<1000x128xf32, #tpu.memory_space<vmem_shared>> -> memref<64x128xf32, #tpu.memory_space<vmem_shared>>
      %dma_wait3A_246 = arith.constant 0 : i32
      %dma_wait3A_247 = tpu.memref_slice %arg5[%min3A_8, %dma_wait3A_246] : memref<1000x128xf32, #tpu.memory_space<vmem_shared>> -> memref<64x128xf32, #tpu.memory_space<vmem_shared>>
      %dma_wait3A_248 = arith.constant 0 : i32
      %dma_wait3A_249 = arith.constant 0 : i32
      %dma_wait3A_250 = tpu.memref_slice %arg7[%dma_wait3A_248, %dma_wait3A_249] : memref<128x128xf32, #tpu.memory_space<vmem>> -> memref<64x128xf32, #tpu.memory_space<vmem>>
      tpu.wait_dma2 semaphore(%run_scoped3A : memref<!tpu.dma_semaphore, #tpu.memory_space<semaphore_mem>>) src(%dma_wait3A_250 : memref<64x128xf32, #tpu.memory_space<vmem>>) dst(%dma_wait3A_247 : memref<64x128xf32, #tpu.memory_space<vmem_shared>>)
      tpu.yield
    }) : () -> ()
    %dma_wait3A = arith.constant 0 : i32
    %dma_wait3A_14 = tpu.memref_slice %arg2[%dma_wait3A, %mul3A_2] : memref<50x16384xi32, #tpu.memory_space<hbm>> -> memref<50x512xi32, #tpu.memory_space<hbm>>
    %dma_wait3A_15 = arith.constant 0 : i32
    %dma_wait3A_16 = tpu.memref_slice %arg2[%dma_wait3A_15, %mul3A_2] : memref<50x16384xi32, #tpu.memory_space<hbm>> -> memref<50x512xi32, #tpu.memory_space<hbm>>
    tpu.wait_dma2 semaphore(%arg19 : memref<!tpu.dma_semaphore, #tpu.memory_space<semaphore_mem>>) src(%dma_wait3A_16 : memref<50x512xi32, #tpu.memory_space<hbm>>) dst(%arg6 : memref<50x512xi32, #tpu.memory_space<vmem>>)
    %barrier3A = arith.constant 0 : index
    tpu.barrier barrier_id(%barrier3A)
    %dma_start3A_17 = arith.constant 0 : i32
    %dma_start3A_18 = arith.constant 0 : i32
    %dma_start3A_19 = tpu.memref_slice %arg6[%dma_start3A_17, %dma_start3A_18] : memref<50x512xi32, #tpu.memory_space<vmem>> -> memref<1x128xi32, #tpu.memory_space<vmem>>
    %dma_start3A_20 = tpu.memref_squeeze %dma_start3A_19 : memref<1x128xi32, #tpu.memory_space<vmem>> -> memref<128xi32, #tpu.memory_space<vmem>>
    %dma_start3A_21 = arith.constant 0 : i32
    %dma_start3A_22 = arith.constant 0 : i32
    %dma_start3A_23 = tpu.memref_slice %arg5[%dma_start3A_21, %dma_start3A_22] : memref<1000x128xf32, #tpu.memory_space<vmem_shared>> -> memref<1000x128xf32, #tpu.memory_space<vmem_shared>>
    tpu.enqueue_indirect_dma source(%dma_start3A_23 : memref<1000x128xf32, #tpu.memory_space<vmem_shared>>) target(%arg7 : memref<128x128xf32, #tpu.memory_space<vmem>>) offsets(%dma_start3A_20 : memref<128xi32, #tpu.memory_space<vmem>>) semaphore(%arg11 : memref<!tpu.dma_semaphore, #tpu.memory_space<semaphore_mem>>)
    %dma_start3A_24 = arith.constant 0 : i32
    %dma_start3A_25 = arith.constant 128 : i32
    %dma_start3A_26 = tpu.memref_slice %arg6[%dma_start3A_24, %dma_start3A_25] : memref<50x512xi32, #tpu.memory_space<vmem>> -> memref<1x128xi32, #tpu.memory_space<vmem>>
    %dma_start3A_27 = tpu.memref_squeeze %dma_start3A_26 : memref<1x128xi32, #tpu.memory_space<vmem>> -> memref<128xi32, #tpu.memory_space<vmem>>
    %dma_start3A_28 = arith.constant 0 : i32
    %dma_start3A_29 = arith.constant 0 : i32
    %dma_start3A_30 = tpu.memref_slice %arg5[%dma_start3A_28, %dma_start3A_29] : memref<1000x128xf32, #tpu.memory_space<vmem_shared>> -> memref<1000x128xf32, #tpu.memory_space<vmem_shared>>
    tpu.enqueue_indirect_dma source(%dma_start3A_30 : memref<1000x128xf32, #tpu.memory_space<vmem_shared>>) target(%arg8 : memref<128x128xf32, #tpu.memory_space<vmem>>) offsets(%dma_start3A_27 : memref<128xi32, #tpu.memory_space<vmem>>) semaphore(%arg12 : memref<!tpu.dma_semaphore, #tpu.memory_space<semaphore_mem>>)
    %dma_start3A_31 = arith.constant 0 : i32
    %dma_start3A_32 = arith.constant 256 : i32
    %dma_start3A_33 = tpu.memref_slice %arg6[%dma_start3A_31, %dma_start3A_32] : memref<50x512xi32, #tpu.memory_space<vmem>> -> memref<1x128xi32, #tpu.memory_space<vmem>>
    %dma_start3A_34 = tpu.memref_squeeze %dma_start3A_33 : memref<1x128xi32, #tpu.memory_space<vmem>> -> memref<128xi32, #tpu.memory_space<vmem>>
    %dma_start3A_35 = arith.constant 0 : i32
    %dma_start3A_36 = arith.constant 0 : i32
    %dma_start3A_37 = tpu.memref_slice %arg5[%dma_start3A_35, %dma_start3A_36] : memref<1000x128xf32, #tpu.memory_space<vmem_shared>> -> memref<1000x128xf32, #tpu.memory_space<vmem_shared>>
    tpu.enqueue_indirect_dma source(%dma_start3A_37 : memref<1000x128xf32, #tpu.memory_space<vmem_shared>>) target(%arg9 : memref<128x128xf32, #tpu.memory_space<vmem>>) offsets(%dma_start3A_34 : memref<128xi32, #tpu.memory_space<vmem>>) semaphore(%arg13 : memref<!tpu.dma_semaphore, #tpu.memory_space<semaphore_mem>>)
    %dma_wait3A_38 = arith.constant 0 : i32
    %dma_wait3A_39 = arith.constant 0 : i32
    %dma_wait3A_40 = tpu.memref_slice %arg6[%dma_wait3A_38, %dma_wait3A_39] : memref<50x512xi32, #tpu.memory_space<vmem>> -> memref<1x128xi32, #tpu.memory_space<vmem>>
    %dma_wait3A_41 = tpu.memref_squeeze %dma_wait3A_40 : memref<1x128xi32, #tpu.memory_space<vmem>> -> memref<128xi32, #tpu.memory_space<vmem>>
    %dma_wait3A_42 = arith.constant 0 : i32
    %dma_wait3A_43 = arith.constant 0 : i32
    %dma_wait3A_44 = tpu.memref_slice %arg5[%dma_wait3A_42, %dma_wait3A_43] : memref<1000x128xf32, #tpu.memory_space<vmem_shared>> -> memref<1000x128xf32, #tpu.memory_space<vmem_shared>>
    tpu.wait_indirect_dma semaphore(%arg11 : memref<!tpu.dma_semaphore, #tpu.memory_space<semaphore_mem>>) src(%dma_wait3A_44 : memref<1000x128xf32, #tpu.memory_space<vmem_shared>>) dst(%arg7 : memref<128x128xf32, #tpu.memory_space<vmem>>)
    %add3A_45 = arith.constant 0 : i32
    %add3A_46 = arith.addi %add3A_45, %mul3A_2 : i32
    %add3A_47 = arith.constant 0 : i32
    %add3A_48 = arith.addi %add3A_46, %add3A_47 : i32
    %dma_start3A_49 = arith.constant 0 : i32
    %dma_start3A_50 = tpu.memref_slice %arg4[%add3A_48, %dma_start3A_49] : memref<819200x128xf32, #tpu.memory_space<hbm>> -> memref<128x128xf32, #tpu.memory_space<hbm>>
    %dma_start3A_51 = arith.constant 0 : i32
    %dma_start3A_52 = tpu.memref_slice %arg4[%add3A_48, %dma_start3A_51] : memref<819200x128xf32, #tpu.memory_space<hbm>> -> memref<128x128xf32, #tpu.memory_space<hbm>>
    tpu.enqueue_dma source(%arg7 : memref<128x128xf32, #tpu.memory_space<vmem>>) target(%dma_start3A_52 : memref<128x128xf32, #tpu.memory_space<hbm>>) target_semaphore(%arg15 : memref<!tpu.dma_semaphore, #tpu.memory_space<semaphore_mem>>)
    %dma_start3A_53 = arith.constant 0 : i32
    %dma_start3A_54 = arith.constant 384 : i32
    %dma_start3A_55 = tpu.memref_slice %arg6[%dma_start3A_53, %dma_start3A_54] : memref<50x512xi32, #tpu.memory_space<vmem>> -> memref<1x128xi32, #tpu.memory_space<vmem>>
    %dma_start3A_56 = tpu.memref_squeeze %dma_start3A_55 : memref<1x128xi32, #tpu.memory_space<vmem>> -> memref<128xi32, #tpu.memory_space<vmem>>
    %dma_start3A_57 = arith.constant 0 : i32
    %dma_start3A_58 = arith.constant 0 : i32
    %dma_start3A_59 = tpu.memref_slice %arg5[%dma_start3A_57, %dma_start3A_58] : memref<1000x128xf32, #tpu.memory_space<vmem_shared>> -> memref<1000x128xf32, #tpu.memory_space<vmem_shared>>
    tpu.enqueue_indirect_dma source(%dma_start3A_59 : memref<1000x128xf32, #tpu.memory_space<vmem_shared>>) target(%arg10 : memref<128x128xf32, #tpu.memory_space<vmem>>) offsets(%dma_start3A_56 : memref<128xi32, #tpu.memory_space<vmem>>) semaphore(%arg14 : memref<!tpu.dma_semaphore, #tpu.memory_space<semaphore_mem>>)
    %dma_wait3A_60 = arith.constant 0 : i32
    %dma_wait3A_61 = arith.constant 0 : i32
    %dma_wait3A_62 = tpu.memref_slice %arg6[%dma_wait3A_60, %dma_wait3A_61] : memref<50x512xi32, #tpu.memory_space<vmem>> -> memref<1x128xi32, #tpu.memory_space<vmem>>
    %dma_wait3A_63 = tpu.memref_squeeze %dma_wait3A_62 : memref<1x128xi32, #tpu.memory_space<vmem>> -> memref<128xi32, #tpu.memory_space<vmem>>
    %dma_wait3A_64 = arith.constant 0 : i32
    %dma_wait3A_65 = arith.constant 0 : i32
    %dma_wait3A_66 = tpu.memref_slice %arg5[%dma_wait3A_64, %dma_wait3A_65] : memref<1000x128xf32, #tpu.memory_space<vmem_shared>> -> memref<1000x128xf32, #tpu.memory_space<vmem_shared>>
    tpu.wait_indirect_dma semaphore(%arg12 : memref<!tpu.dma_semaphore, #tpu.memory_space<semaphore_mem>>) src(%dma_wait3A_66 : memref<1000x128xf32, #tpu.memory_space<vmem_shared>>) dst(%arg8 : memref<128x128xf32, #tpu.memory_space<vmem>>)
    %add3A_67 = arith.constant 0 : i32
    %add3A_68 = arith.addi %add3A_67, %mul3A_2 : i32
    %add3A_69 = arith.constant 128 : i32
    %add3A_70 = arith.addi %add3A_68, %add3A_69 : i32
    %dma_start3A_71 = arith.constant 0 : i32
    %dma_start3A_72 = tpu.memref_slice %arg4[%add3A_70, %dma_start3A_71] : memref<819200x128xf32, #tpu.memory_space<hbm>> -> memref<128x128xf32, #tpu.memory_space<hbm>>
    %dma_start3A_73 = arith.constant 0 : i32
    %dma_start3A_74 = tpu.memref_slice %arg4[%add3A_70, %dma_start3A_73] : memref<819200x128xf32, #tpu.memory_space<hbm>> -> memref<128x128xf32, #tpu.memory_space<hbm>>
    tpu.enqueue_dma source(%arg8 : memref<128x128xf32, #tpu.memory_space<vmem>>) target(%dma_start3A_74 : memref<128x128xf32, #tpu.memory_space<hbm>>) target_semaphore(%arg16 : memref<!tpu.dma_semaphore, #tpu.memory_space<semaphore_mem>>)
    %dma_wait3A_75 = arith.constant 0 : i32
    %dma_wait3A_76 = tpu.memref_slice %arg4[%mul3A_2, %dma_wait3A_75] : memref<819200x128xf32, #tpu.memory_space<hbm>> -> memref<128x128xf32, #tpu.memory_space<hbm>>
    %dma_wait3A_77 = arith.constant 0 : i32
    %dma_wait3A_78 = tpu.memref_slice %arg4[%mul3A_2, %dma_wait3A_77] : memref<819200x128xf32, #tpu.memory_space<hbm>> -> memref<128x128xf32, #tpu.memory_space<hbm>>
    tpu.wait_dma2 semaphore(%arg15 : memref<!tpu.dma_semaphore, #tpu.memory_space<semaphore_mem>>) src(%arg7 : memref<128x128xf32, #tpu.memory_space<vmem>>) dst(%dma_wait3A_78 : memref<128x128xf32, #tpu.memory_space<hbm>>)
    %dma_start3A_79 = arith.constant 1 : i32
    %dma_start3A_80 = arith.constant 0 : i32
    %dma_start3A_81 = tpu.memref_slice %arg6[%dma_start3A_79, %dma_start3A_80] : memref<50x512xi32, #tpu.memory_space<vmem>> -> memref<1x128xi32, #tpu.memory_space<vmem>>
    %dma_start3A_82 = tpu.memref_squeeze %dma_start3A_81 : memref<1x128xi32, #tpu.memory_space<vmem>> -> memref<128xi32, #tpu.memory_space<vmem>>
    %dma_start3A_83 = arith.constant 0 : i32
    %dma_start3A_84 = arith.constant 0 : i32
    %dma_start3A_85 = tpu.memref_slice %arg5[%dma_start3A_83, %dma_start3A_84] : memref<1000x128xf32, #tpu.memory_space<vmem_shared>> -> memref<1000x128xf32, #tpu.memory_space<vmem_shared>>
    tpu.enqueue_indirect_dma source(%dma_start3A_85 : memref<1000x128xf32, #tpu.memory_space<vmem_shared>>) target(%arg7 : memref<128x128xf32, #tpu.memory_space<vmem>>) offsets(%dma_start3A_82 : memref<128xi32, #tpu.memory_space<vmem>>) semaphore(%arg11 : memref<!tpu.dma_semaphore, #tpu.memory_space<semaphore_mem>>)
    %dma_wait3A_86 = arith.constant 0 : i32
    %dma_wait3A_87 = arith.constant 0 : i32
    %dma_wait3A_88 = tpu.memref_slice %arg6[%dma_wait3A_86, %dma_wait3A_87] : memref<50x512xi32, #tpu.memory_space<vmem>> -> memref<1x128xi32, #tpu.memory_space<vmem>>
    %dma_wait3A_89 = tpu.memref_squeeze %dma_wait3A_88 : memref<1x128xi32, #tpu.memory_space<vmem>> -> memref<128xi32, #tpu.memory_space<vmem>>
    %dma_wait3A_90 = arith.constant 0 : i32
    %dma_wait3A_91 = arith.constant 0 : i32
    %dma_wait3A_92 = tpu.memref_slice %arg5[%dma_wait3A_90, %dma_wait3A_91] : memref<1000x128xf32, #tpu.memory_space<vmem_shared>> -> memref<1000x128xf32, #tpu.memory_space<vmem_shared>>
    tpu.wait_indirect_dma semaphore(%arg13 : memref<!tpu.dma_semaphore, #tpu.memory_space<semaphore_mem>>) src(%dma_wait3A_92 : memref<1000x128xf32, #tpu.memory_space<vmem_shared>>) dst(%arg9 : memref<128x128xf32, #tpu.memory_space<vmem>>)
    %add3A_93 = arith.constant 0 : i32
    %add3A_94 = arith.addi %add3A_93, %mul3A_2 : i32
    %add3A_95 = arith.constant 256 : i32
    %add3A_96 = arith.addi %add3A_94, %add3A_95 : i32
    %dma_start3A_97 = arith.constant 0 : i32
    %dma_start3A_98 = tpu.memref_slice %arg4[%add3A_96, %dma_start3A_97] : memref<819200x128xf32, #tpu.memory_space<hbm>> -> memref<128x128xf32, #tpu.memory_space<hbm>>
    %dma_start3A_99 = arith.constant 0 : i32
    %dma_start3A_100 = tpu.memref_slice %arg4[%add3A_96, %dma_start3A_99] : memref<819200x128xf32, #tpu.memory_space<hbm>> -> memref<128x128xf32, #tpu.memory_space<hbm>>
    tpu.enqueue_dma source(%arg9 : memref<128x128xf32, #tpu.memory_space<vmem>>) target(%dma_start3A_100 : memref<128x128xf32, #tpu.memory_space<hbm>>) target_semaphore(%arg17 : memref<!tpu.dma_semaphore, #tpu.memory_space<semaphore_mem>>)
    %dma_wait3A_101 = arith.constant 0 : i32
    %dma_wait3A_102 = tpu.memref_slice %arg4[%mul3A_2, %dma_wait3A_101] : memref<819200x128xf32, #tpu.memory_space<hbm>> -> memref<128x128xf32, #tpu.memory_space<hbm>>
    %dma_wait3A_103 = arith.constant 0 : i32
    %dma_wait3A_104 = tpu.memref_slice %arg4[%mul3A_2, %dma_wait3A_103] : memref<819200x128xf32, #tpu.memory_space<hbm>> -> memref<128x128xf32, #tpu.memory_space<hbm>>
    tpu.wait_dma2 semaphore(%arg16 : memref<!tpu.dma_semaphore, #tpu.memory_space<semaphore_mem>>) src(%arg8 : memref<128x128xf32, #tpu.memory_space<vmem>>) dst(%dma_wait3A_104 : memref<128x128xf32, #tpu.memory_space<hbm>>)
    %dma_start3A_105 = arith.constant 1 : i32
    %dma_start3A_106 = arith.constant 128 : i32
    %dma_start3A_107 = tpu.memref_slice %arg6[%dma_start3A_105, %dma_start3A_106] : memref<50x512xi32, #tpu.memory_space<vmem>> -> memref<1x128xi32, #tpu.memory_space<vmem>>
    %dma_start3A_108 = tpu.memref_squeeze %dma_start3A_107 : memref<1x128xi32, #tpu.memory_space<vmem>> -> memref<128xi32, #tpu.memory_space<vmem>>
    %dma_start3A_109 = arith.constant 0 : i32
    %dma_start3A_110 = arith.constant 0 : i32
    %dma_start3A_111 = tpu.memref_slice %arg5[%dma_start3A_109, %dma_start3A_110] : memref<1000x128xf32, #tpu.memory_space<vmem_shared>> -> memref<1000x128xf32, #tpu.memory_space<vmem_shared>>
    tpu.enqueue_indirect_dma source(%dma_start3A_111 : memref<1000x128xf32, #tpu.memory_space<vmem_shared>>) target(%arg8 : memref<128x128xf32, #tpu.memory_space<vmem>>) offsets(%dma_start3A_108 : memref<128xi32, #tpu.memory_space<vmem>>) semaphore(%arg12 : memref<!tpu.dma_semaphore, #tpu.memory_space<semaphore_mem>>)
    %dma_wait3A_112 = arith.constant 0 : i32
    %dma_wait3A_113 = arith.constant 0 : i32
    %dma_wait3A_114 = tpu.memref_slice %arg6[%dma_wait3A_112, %dma_wait3A_113] : memref<50x512xi32, #tpu.memory_space<vmem>> -> memref<1x128xi32, #tpu.memory_space<vmem>>
    %dma_wait3A_115 = tpu.memref_squeeze %dma_wait3A_114 : memref<1x128xi32, #tpu.memory_space<vmem>> -> memref<128xi32, #tpu.memory_space<vmem>>
    %dma_wait3A_116 = arith.constant 0 : i32
    %dma_wait3A_117 = arith.constant 0 : i32
    %dma_wait3A_118 = tpu.memref_slice %arg5[%dma_wait3A_116, %dma_wait3A_117] : memref<1000x128xf32, #tpu.memory_space<vmem_shared>> -> memref<1000x128xf32, #tpu.memory_space<vmem_shared>>
    tpu.wait_indirect_dma semaphore(%arg14 : memref<!tpu.dma_semaphore, #tpu.memory_space<semaphore_mem>>) src(%dma_wait3A_118 : memref<1000x128xf32, #tpu.memory_space<vmem_shared>>) dst(%arg10 : memref<128x128xf32, #tpu.memory_space<vmem>>)
    %add3A_119 = arith.constant 0 : i32
    %add3A_120 = arith.addi %add3A_119, %mul3A_2 : i32
    %add3A_121 = arith.constant 384 : i32
    %add3A_122 = arith.addi %add3A_120, %add3A_121 : i32
    %dma_start3A_123 = arith.constant 0 : i32
    %dma_start3A_124 = tpu.memref_slice %arg4[%add3A_122, %dma_start3A_123] : memref<819200x128xf32, #tpu.memory_space<hbm>> -> memref<128x128xf32, #tpu.memory_space<hbm>>
    %dma_start3A_125 = arith.constant 0 : i32
    %dma_start3A_126 = tpu.memref_slice %arg4[%add3A_122, %dma_start3A_125] : memref<819200x128xf32, #tpu.memory_space<hbm>> -> memref<128x128xf32, #tpu.memory_space<hbm>>
    tpu.enqueue_dma source(%arg10 : memref<128x128xf32, #tpu.memory_space<vmem>>) target(%dma_start3A_126 : memref<128x128xf32, #tpu.memory_space<hbm>>) target_semaphore(%arg18 : memref<!tpu.dma_semaphore, #tpu.memory_space<semaphore_mem>>)
    %scan3A_127 = arith.constant 0 : i32
    %scan3A_128 = arith.constant 1 : i32
    %scan3A_129 = arith.constant 48 : i32
    %scan3A_130 = arith.addi %scan3A_128, %scan3A_129 : i32
    %scan3A_131 = arith.constant 1 : i32
    scf.for %scan3A_231 = %scan3A_128 to %scan3A_130 step %scan3A_131  : i32 {
      %dma_wait3A_232 = arith.constant 0 : i32
      %dma_wait3A_233 = tpu.memref_slice %arg4[%mul3A_2, %dma_wait3A_232] : memref<819200x128xf32, #tpu.memory_space<hbm>> -> memref<128x128xf32, #tpu.memory_space<hbm>>
      %dma_wait3A_234 = arith.constant 0 : i32
      %dma_wait3A_235 = tpu.memref_slice %arg4[%mul3A_2, %dma_wait3A_234] : memref<819200x128xf32, #tpu.memory_space<hbm>> -> memref<128x128xf32, #tpu.memory_space<hbm>>
      tpu.wait_dma2 semaphore(%arg17 : memref<!tpu.dma_semaphore, #tpu.memory_space<semaphore_mem>>) src(%arg9 : memref<128x128xf32, #tpu.memory_space<vmem>>) dst(%dma_wait3A_235 : memref<128x128xf32, #tpu.memory_space<hbm>>)
      %add3A_236 = arith.constant 0 : i32
      %add3A_237 = arith.addi %scan3A_231, %add3A_236 : i32
      %dma_start3A_238 = arith.constant 256 : i32
      %dma_start3A_239 = tpu.memref_slice %arg6[%add3A_237, %dma_start3A_238] : memref<50x512xi32, #tpu.memory_space<vmem>> -> memref<1x128xi32, #tpu.memory_space<vmem>>
      %dma_start3A_240 = tpu.memref_squeeze %dma_start3A_239 : memref<1x128xi32, #tpu.memory_space<vmem>> -> memref<128xi32, #tpu.memory_space<vmem>>
      %dma_start3A_241 = arith.constant 0 : i32
      %dma_start3A_242 = arith.constant 0 : i32
      %dma_start3A_243 = tpu.memref_slice %arg5[%dma_start3A_241, %dma_start3A_242] : memref<1000x128xf32, #tpu.memory_space<vmem_shared>> -> memref<1000x128xf32, #tpu.memory_space<vmem_shared>>
      tpu.enqueue_indirect_dma source(%dma_start3A_243 : memref<1000x128xf32, #tpu.memory_space<vmem_shared>>) target(%arg9 : memref<128x128xf32, #tpu.memory_space<vmem>>) offsets(%dma_start3A_240 : memref<128xi32, #tpu.memory_space<vmem>>) semaphore(%arg13 : memref<!tpu.dma_semaphore, #tpu.memory_space<semaphore_mem>>)
      %dma_wait3A_244 = arith.constant 0 : i32
      %dma_wait3A_245 = arith.constant 0 : i32
      %dma_wait3A_246 = tpu.memref_slice %arg6[%dma_wait3A_244, %dma_wait3A_245] : memref<50x512xi32, #tpu.memory_space<vmem>> -> memref<1x128xi32, #tpu.memory_space<vmem>>
      %dma_wait3A_247 = tpu.memref_squeeze %dma_wait3A_246 : memref<1x128xi32, #tpu.memory_space<vmem>> -> memref<128xi32, #tpu.memory_space<vmem>>
      %dma_wait3A_248 = arith.constant 0 : i32
      %dma_wait3A_249 = arith.constant 0 : i32
      %dma_wait3A_250 = tpu.memref_slice %arg5[%dma_wait3A_248, %dma_wait3A_249] : memref<1000x128xf32, #tpu.memory_space<vmem_shared>> -> memref<1000x128xf32, #tpu.memory_space<vmem_shared>>
      tpu.wait_indirect_dma semaphore(%arg11 : memref<!tpu.dma_semaphore, #tpu.memory_space<semaphore_mem>>) src(%dma_wait3A_250 : memref<1000x128xf32, #tpu.memory_space<vmem_shared>>) dst(%arg7 : memref<128x128xf32, #tpu.memory_space<vmem>>)
      %mul3A_251 = arith.constant 16384 : i32
      %mul3A_252 = arith.muli %scan3A_231, %mul3A_251 : i32
      %add3A_253 = arith.addi %mul3A_252, %mul3A_2 : i32
      %add3A_254 = arith.constant 0 : i32
      %add3A_255 = arith.addi %add3A_253, %add3A_254 : i32
      %dma_start3A_256 = arith.constant 0 : i32
      %dma_start3A_257 = tpu.memref_slice %arg4[%add3A_255, %dma_start3A_256] : memref<819200x128xf32, #tpu.memory_space<hbm>> -> memref<128x128xf32, #tpu.memory_space<hbm>>
      %dma_start3A_258 = arith.constant 0 : i32
      %dma_start3A_259 = tpu.memref_slice %arg4[%add3A_255, %dma_start3A_258] : memref<819200x128xf32, #tpu.memory_space<hbm>> -> memref<128x128xf32, #tpu.memory_space<hbm>>
      tpu.enqueue_dma source(%arg7 : memref<128x128xf32, #tpu.memory_space<vmem>>) target(%dma_start3A_259 : memref<128x128xf32, #tpu.memory_space<hbm>>) target_semaphore(%arg15 : memref<!tpu.dma_semaphore, #tpu.memory_space<semaphore_mem>>)
      %dma_wait3A_260 = arith.constant 0 : i32
      %dma_wait3A_261 = tpu.memref_slice %arg4[%mul3A_2, %dma_wait3A_260] : memref<819200x128xf32, #tpu.memory_space<hbm>> -> memref<128x128xf32, #tpu.memory_space<hbm>>
      %dma_wait3A_262 = arith.constant 0 : i32
      %dma_wait3A_263 = tpu.memref_slice %arg4[%mul3A_2, %dma_wait3A_262] : memref<819200x128xf32, #tpu.memory_space<hbm>> -> memref<128x128xf32, #tpu.memory_space<hbm>>
      tpu.wait_dma2 semaphore(%arg18 : memref<!tpu.dma_semaphore, #tpu.memory_space<semaphore_mem>>) src(%arg10 : memref<128x128xf32, #tpu.memory_space<vmem>>) dst(%dma_wait3A_263 : memref<128x128xf32, #tpu.memory_space<hbm>>)
      %add3A_264 = arith.constant 0 : i32
      %add3A_265 = arith.addi %scan3A_231, %add3A_264 : i32
      %dma_start3A_266 = arith.constant 384 : i32
      %dma_start3A_267 = tpu.memref_slice %arg6[%add3A_265, %dma_start3A_266] : memref<50x512xi32, #tpu.memory_space<vmem>> -> memref<1x128xi32, #tpu.memory_space<vmem>>
      %dma_start3A_268 = tpu.memref_squeeze %dma_start3A_267 : memref<1x128xi32, #tpu.memory_space<vmem>> -> memref<128xi32, #tpu.memory_space<vmem>>
      %dma_start3A_269 = arith.constant 0 : i32
      %dma_start3A_270 = arith.constant 0 : i32
      %dma_start3A_271 = tpu.memref_slice %arg5[%dma_start3A_269, %dma_start3A_270] : memref<1000x128xf32, #tpu.memory_space<vmem_shared>> -> memref<1000x128xf32, #tpu.memory_space<vmem_shared>>
      tpu.enqueue_indirect_dma source(%dma_start3A_271 : memref<1000x128xf32, #tpu.memory_space<vmem_shared>>) target(%arg10 : memref<128x128xf32, #tpu.memory_space<vmem>>) offsets(%dma_start3A_268 : memref<128xi32, #tpu.memory_space<vmem>>) semaphore(%arg14 : memref<!tpu.dma_semaphore, #tpu.memory_space<semaphore_mem>>)
      %dma_wait3A_272 = arith.constant 0 : i32
      %dma_wait3A_273 = arith.constant 0 : i32
      %dma_wait3A_274 = tpu.memref_slice %arg6[%dma_wait3A_272, %dma_wait3A_273] : memref<50x512xi32, #tpu.memory_space<vmem>> -> memref<1x128xi32, #tpu.memory_space<vmem>>
      %dma_wait3A_275 = tpu.memref_squeeze %dma_wait3A_274 : memref<1x128xi32, #tpu.memory_space<vmem>> -> memref<128xi32, #tpu.memory_space<vmem>>
      %dma_wait3A_276 = arith.constant 0 : i32
      %dma_wait3A_277 = arith.constant 0 : i32
      %dma_wait3A_278 = tpu.memref_slice %arg5[%dma_wait3A_276, %dma_wait3A_277] : memref<1000x128xf32, #tpu.memory_space<vmem_shared>> -> memref<1000x128xf32, #tpu.memory_space<vmem_shared>>
      tpu.wait_indirect_dma semaphore(%arg12 : memref<!tpu.dma_semaphore, #tpu.memory_space<semaphore_mem>>) src(%dma_wait3A_278 : memref<1000x128xf32, #tpu.memory_space<vmem_shared>>) dst(%arg8 : memref<128x128xf32, #tpu.memory_space<vmem>>)
      %mul3A_279 = arith.constant 16384 : i32
      %mul3A_280 = arith.muli %scan3A_231, %mul3A_279 : i32
      %add3A_281 = arith.addi %mul3A_280, %mul3A_2 : i32
      %add3A_282 = arith.constant 128 : i32
      %add3A_283 = arith.addi %add3A_281, %add3A_282 : i32
      %dma_start3A_284 = arith.constant 0 : i32
      %dma_start3A_285 = tpu.memref_slice %arg4[%add3A_283, %dma_start3A_284] : memref<819200x128xf32, #tpu.memory_space<hbm>> -> memref<128x128xf32, #tpu.memory_space<hbm>>
      %dma_start3A_286 = arith.constant 0 : i32
      %dma_start3A_287 = tpu.memref_slice %arg4[%add3A_283, %dma_start3A_286] : memref<819200x128xf32, #tpu.memory_space<hbm>> -> memref<128x128xf32, #tpu.memory_space<hbm>>
      tpu.enqueue_dma source(%arg8 : memref<128x128xf32, #tpu.memory_space<vmem>>) target(%dma_start3A_287 : memref<128x128xf32, #tpu.memory_space<hbm>>) target_semaphore(%arg16 : memref<!tpu.dma_semaphore, #tpu.memory_space<semaphore_mem>>)
      %dma_wait3A_288 = arith.constant 0 : i32
      %dma_wait3A_289 = tpu.memref_slice %arg4[%mul3A_2, %dma_wait3A_288] : memref<819200x128xf32, #tpu.memory_space<hbm>> -> memref<128x128xf32, #tpu.memory_space<hbm>>
      %dma_wait3A_290 = arith.constant 0 : i32
      %dma_wait3A_291 = tpu.memref_slice %arg4[%mul3A_2, %dma_wait3A_290] : memref<819200x128xf32, #tpu.memory_space<hbm>> -> memref<128x128xf32, #tpu.memory_space<hbm>>
      tpu.wait_dma2 semaphore(%arg15 : memref<!tpu.dma_semaphore, #tpu.memory_space<semaphore_mem>>) src(%arg7 : memref<128x128xf32, #tpu.memory_space<vmem>>) dst(%dma_wait3A_291 : memref<128x128xf32, #tpu.memory_space<hbm>>)
      %add3A_292 = arith.constant 1 : i32
      %add3A_293 = arith.addi %scan3A_231, %add3A_292 : i32
      %dma_start3A_294 = arith.constant 0 : i32
      %dma_start3A_295 = tpu.memref_slice %arg6[%add3A_293, %dma_start3A_294] : memref<50x512xi32, #tpu.memory_space<vmem>> -> memref<1x128xi32, #tpu.memory_space<vmem>>
      %dma_start3A_296 = tpu.memref_squeeze %dma_start3A_295 : memref<1x128xi32, #tpu.memory_space<vmem>> -> memref<128xi32, #tpu.memory_space<vmem>>
      %dma_start3A_297 = arith.constant 0 : i32
      %dma_start3A_298 = arith.constant 0 : i32
      %dma_start3A_299 = tpu.memref_slice %arg5[%dma_start3A_297, %dma_start3A_298] : memref<1000x128xf32, #tpu.memory_space<vmem_shared>> -> memref<1000x128xf32, #tpu.memory_space<vmem_shared>>
      tpu.enqueue_indirect_dma source(%dma_start3A_299 : memref<1000x128xf32, #tpu.memory_space<vmem_shared>>) target(%arg7 : memref<128x128xf32, #tpu.memory_space<vmem>>) offsets(%dma_start3A_296 : memref<128xi32, #tpu.memory_space<vmem>>) semaphore(%arg11 : memref<!tpu.dma_semaphore, #tpu.memory_space<semaphore_mem>>)
      %dma_wait3A_300 = arith.constant 0 : i32
      %dma_wait3A_301 = arith.constant 0 : i32
      %dma_wait3A_302 = tpu.memref_slice %arg6[%dma_wait3A_300, %dma_wait3A_301] : memref<50x512xi32, #tpu.memory_space<vmem>> -> memref<1x128xi32, #tpu.memory_space<vmem>>
      %dma_wait3A_303 = tpu.memref_squeeze %dma_wait3A_302 : memref<1x128xi32, #tpu.memory_space<vmem>> -> memref<128xi32, #tpu.memory_space<vmem>>
      %dma_wait3A_304 = arith.constant 0 : i32
      %dma_wait3A_305 = arith.constant 0 : i32
      %dma_wait3A_306 = tpu.memref_slice %arg5[%dma_wait3A_304, %dma_wait3A_305] : memref<1000x128xf32, #tpu.memory_space<vmem_shared>> -> memref<1000x128xf32, #tpu.memory_space<vmem_shared>>
      tpu.wait_indirect_dma semaphore(%arg13 : memref<!tpu.dma_semaphore, #tpu.memory_space<semaphore_mem>>) src(%dma_wait3A_306 : memref<1000x128xf32, #tpu.memory_space<vmem_shared>>) dst(%arg9 : memref<128x128xf32, #tpu.memory_space<vmem>>)
      %mul3A_307 = arith.constant 16384 : i32
      %mul3A_308 = arith.muli %scan3A_231, %mul3A_307 : i32
      %add3A_309 = arith.addi %mul3A_308, %mul3A_2 : i32
      %add3A_310 = arith.constant 256 : i32
      %add3A_311 = arith.addi %add3A_309, %add3A_310 : i32
      %dma_start3A_312 = arith.constant 0 : i32
      %dma_start3A_313 = tpu.memref_slice %arg4[%add3A_311, %dma_start3A_312] : memref<819200x128xf32, #tpu.memory_space<hbm>> -> memref<128x128xf32, #tpu.memory_space<hbm>>
      %dma_start3A_314 = arith.constant 0 : i32
      %dma_start3A_315 = tpu.memref_slice %arg4[%add3A_311, %dma_start3A_314] : memref<819200x128xf32, #tpu.memory_space<hbm>> -> memref<128x128xf32, #tpu.memory_space<hbm>>
      tpu.enqueue_dma source(%arg9 : memref<128x128xf32, #tpu.memory_space<vmem>>) target(%dma_start3A_315 : memref<128x128xf32, #tpu.memory_space<hbm>>) target_semaphore(%arg17 : memref<!tpu.dma_semaphore, #tpu.memory_space<semaphore_mem>>)
      %dma_wait3A_316 = arith.constant 0 : i32
      %dma_wait3A_317 = tpu.memref_slice %arg4[%mul3A_2, %dma_wait3A_316] : memref<819200x128xf32, #tpu.memory_space<hbm>> -> memref<128x128xf32, #tpu.memory_space<hbm>>
      %dma_wait3A_318 = arith.constant 0 : i32
      %dma_wait3A_319 = tpu.memref_slice %arg4[%mul3A_2, %dma_wait3A_318] : memref<819200x128xf32, #tpu.memory_space<hbm>> -> memref<128x128xf32, #tpu.memory_space<hbm>>
      tpu.wait_dma2 semaphore(%arg16 : memref<!tpu.dma_semaphore, #tpu.memory_space<semaphore_mem>>) src(%arg8 : memref<128x128xf32, #tpu.memory_space<vmem>>) dst(%dma_wait3A_319 : memref<128x128xf32, #tpu.memory_space<hbm>>)
      %add3A_320 = arith.constant 1 : i32
      %add3A_321 = arith.addi %scan3A_231, %add3A_320 : i32
      %dma_start3A_322 = arith.constant 128 : i32
      %dma_start3A_323 = tpu.memref_slice %arg6[%add3A_321, %dma_start3A_322] : memref<50x512xi32, #tpu.memory_space<vmem>> -> memref<1x128xi32, #tpu.memory_space<vmem>>
      %dma_start3A_324 = tpu.memref_squeeze %dma_start3A_323 : memref<1x128xi32, #tpu.memory_space<vmem>> -> memref<128xi32, #tpu.memory_space<vmem>>
      %dma_start3A_325 = arith.constant 0 : i32
      %dma_start3A_326 = arith.constant 0 : i32
      %dma_start3A_327 = tpu.memref_slice %arg5[%dma_start3A_325, %dma_start3A_326] : memref<1000x128xf32, #tpu.memory_space<vmem_shared>> -> memref<1000x128xf32, #tpu.memory_space<vmem_shared>>
      tpu.enqueue_indirect_dma source(%dma_start3A_327 : memref<1000x128xf32, #tpu.memory_space<vmem_shared>>) target(%arg8 : memref<128x128xf32, #tpu.memory_space<vmem>>) offsets(%dma_start3A_324 : memref<128xi32, #tpu.memory_space<vmem>>) semaphore(%arg12 : memref<!tpu.dma_semaphore, #tpu.memory_space<semaphore_mem>>)
      %dma_wait3A_328 = arith.constant 0 : i32
      %dma_wait3A_329 = arith.constant 0 : i32
      %dma_wait3A_330 = tpu.memref_slice %arg6[%dma_wait3A_328, %dma_wait3A_329] : memref<50x512xi32, #tpu.memory_space<vmem>> -> memref<1x128xi32, #tpu.memory_space<vmem>>
      %dma_wait3A_331 = tpu.memref_squeeze %dma_wait3A_330 : memref<1x128xi32, #tpu.memory_space<vmem>> -> memref<128xi32, #tpu.memory_space<vmem>>
      %dma_wait3A_332 = arith.constant 0 : i32
      %dma_wait3A_333 = arith.constant 0 : i32
      %dma_wait3A_334 = tpu.memref_slice %arg5[%dma_wait3A_332, %dma_wait3A_333] : memref<1000x128xf32, #tpu.memory_space<vmem_shared>> -> memref<1000x128xf32, #tpu.memory_space<vmem_shared>>
      tpu.wait_indirect_dma semaphore(%arg14 : memref<!tpu.dma_semaphore, #tpu.memory_space<semaphore_mem>>) src(%dma_wait3A_334 : memref<1000x128xf32, #tpu.memory_space<vmem_shared>>) dst(%arg10 : memref<128x128xf32, #tpu.memory_space<vmem>>)
      %mul3A_335 = arith.constant 16384 : i32
      %mul3A_336 = arith.muli %scan3A_231, %mul3A_335 : i32
      %add3A_337 = arith.addi %mul3A_336, %mul3A_2 : i32
      %add3A_338 = arith.constant 384 : i32
      %add3A_339 = arith.addi %add3A_337, %add3A_338 : i32
      %dma_start3A_340 = arith.constant 0 : i32
      %dma_start3A_341 = tpu.memref_slice %arg4[%add3A_339, %dma_start3A_340] : memref<819200x128xf32, #tpu.memory_space<hbm>> -> memref<128x128xf32, #tpu.memory_space<hbm>>
      %dma_start3A_342 = arith.constant 0 : i32
      %dma_start3A_343 = tpu.memref_slice %arg4[%add3A_339, %dma_start3A_342] : memref<819200x128xf32, #tpu.memory_space<hbm>> -> memref<128x128xf32, #tpu.memory_space<hbm>>
      tpu.enqueue_dma source(%arg10 : memref<128x128xf32, #tpu.memory_space<vmem>>) target(%dma_start3A_343 : memref<128x128xf32, #tpu.memory_space<hbm>>) target_semaphore(%arg18 : memref<!tpu.dma_semaphore, #tpu.memory_space<semaphore_mem>>)
    }
    %scan3A_132 = arith.constant 48 : i32
    %dma_wait3A_133 = arith.constant 0 : i32
    %dma_wait3A_134 = tpu.memref_slice %arg4[%mul3A_2, %dma_wait3A_133] : memref<819200x128xf32, #tpu.memory_space<hbm>> -> memref<128x128xf32, #tpu.memory_space<hbm>>
    %dma_wait3A_135 = arith.constant 0 : i32
    %dma_wait3A_136 = tpu.memref_slice %arg4[%mul3A_2, %dma_wait3A_135] : memref<819200x128xf32, #tpu.memory_space<hbm>> -> memref<128x128xf32, #tpu.memory_space<hbm>>
    tpu.wait_dma2 semaphore(%arg17 : memref<!tpu.dma_semaphore, #tpu.memory_space<semaphore_mem>>) src(%arg9 : memref<128x128xf32, #tpu.memory_space<vmem>>) dst(%dma_wait3A_136 : memref<128x128xf32, #tpu.memory_space<hbm>>)
    %dma_start3A_137 = arith.constant 49 : i32
    %dma_start3A_138 = arith.constant 256 : i32
    %dma_start3A_139 = tpu.memref_slice %arg6[%dma_start3A_137, %dma_start3A_138] : memref<50x512xi32, #tpu.memory_space<vmem>> -> memref<1x128xi32, #tpu.memory_space<vmem>>
    %dma_start3A_140 = tpu.memref_squeeze %dma_start3A_139 : memref<1x128xi32, #tpu.memory_space<vmem>> -> memref<128xi32, #tpu.memory_space<vmem>>
    %dma_start3A_141 = arith.constant 0 : i32
    %dma_start3A_142 = arith.constant 0 : i32
    %dma_start3A_143 = tpu.memref_slice %arg5[%dma_start3A_141, %dma_start3A_142] : memref<1000x128xf32, #tpu.memory_space<vmem_shared>> -> memref<1000x128xf32, #tpu.memory_space<vmem_shared>>
    tpu.enqueue_indirect_dma source(%dma_start3A_143 : memref<1000x128xf32, #tpu.memory_space<vmem_shared>>) target(%arg9 : memref<128x128xf32, #tpu.memory_space<vmem>>) offsets(%dma_start3A_140 : memref<128xi32, #tpu.memory_space<vmem>>) semaphore(%arg13 : memref<!tpu.dma_semaphore, #tpu.memory_space<semaphore_mem>>)
    %dma_wait3A_144 = arith.constant 0 : i32
    %dma_wait3A_145 = arith.constant 0 : i32
    %dma_wait3A_146 = tpu.memref_slice %arg6[%dma_wait3A_144, %dma_wait3A_145] : memref<50x512xi32, #tpu.memory_space<vmem>> -> memref<1x128xi32, #tpu.memory_space<vmem>>
    %dma_wait3A_147 = tpu.memref_squeeze %dma_wait3A_146 : memref<1x128xi32, #tpu.memory_space<vmem>> -> memref<128xi32, #tpu.memory_space<vmem>>
    %dma_wait3A_148 = arith.constant 0 : i32
    %dma_wait3A_149 = arith.constant 0 : i32
    %dma_wait3A_150 = tpu.memref_slice %arg5[%dma_wait3A_148, %dma_wait3A_149] : memref<1000x128xf32, #tpu.memory_space<vmem_shared>> -> memref<1000x128xf32, #tpu.memory_space<vmem_shared>>
    tpu.wait_indirect_dma semaphore(%arg11 : memref<!tpu.dma_semaphore, #tpu.memory_space<semaphore_mem>>) src(%dma_wait3A_150 : memref<1000x128xf32, #tpu.memory_space<vmem_shared>>) dst(%arg7 : memref<128x128xf32, #tpu.memory_space<vmem>>)
    %add3A_151 = arith.constant 802816 : i32
    %add3A_152 = arith.addi %add3A_151, %mul3A_2 : i32
    %add3A_153 = arith.constant 0 : i32
    %add3A_154 = arith.addi %add3A_152, %add3A_153 : i32
    %dma_start3A_155 = arith.constant 0 : i32
    %dma_start3A_156 = tpu.memref_slice %arg4[%add3A_154, %dma_start3A_155] : memref<819200x128xf32, #tpu.memory_space<hbm>> -> memref<128x128xf32, #tpu.memory_space<hbm>>
    %dma_start3A_157 = arith.constant 0 : i32
    %dma_start3A_158 = tpu.memref_slice %arg4[%add3A_154, %dma_start3A_157] : memref<819200x128xf32, #tpu.memory_space<hbm>> -> memref<128x128xf32, #tpu.memory_space<hbm>>
    tpu.enqueue_dma source(%arg7 : memref<128x128xf32, #tpu.memory_space<vmem>>) target(%dma_start3A_158 : memref<128x128xf32, #tpu.memory_space<hbm>>) target_semaphore(%arg15 : memref<!tpu.dma_semaphore, #tpu.memory_space<semaphore_mem>>)
    %dma_wait3A_159 = arith.constant 0 : i32
    %dma_wait3A_160 = tpu.memref_slice %arg4[%mul3A_2, %dma_wait3A_159] : memref<819200x128xf32, #tpu.memory_space<hbm>> -> memref<128x128xf32, #tpu.memory_space<hbm>>
    %dma_wait3A_161 = arith.constant 0 : i32
    %dma_wait3A_162 = tpu.memref_slice %arg4[%mul3A_2, %dma_wait3A_161] : memref<819200x128xf32, #tpu.memory_space<hbm>> -> memref<128x128xf32, #tpu.memory_space<hbm>>
    tpu.wait_dma2 semaphore(%arg18 : memref<!tpu.dma_semaphore, #tpu.memory_space<semaphore_mem>>) src(%arg10 : memref<128x128xf32, #tpu.memory_space<vmem>>) dst(%dma_wait3A_162 : memref<128x128xf32, #tpu.memory_space<hbm>>)
    %dma_start3A_163 = arith.constant 49 : i32
    %dma_start3A_164 = arith.constant 384 : i32
    %dma_start3A_165 = tpu.memref_slice %arg6[%dma_start3A_163, %dma_start3A_164] : memref<50x512xi32, #tpu.memory_space<vmem>> -> memref<1x128xi32, #tpu.memory_space<vmem>>
    %dma_start3A_166 = tpu.memref_squeeze %dma_start3A_165 : memref<1x128xi32, #tpu.memory_space<vmem>> -> memref<128xi32, #tpu.memory_space<vmem>>
    %dma_start3A_167 = arith.constant 0 : i32
    %dma_start3A_168 = arith.constant 0 : i32
    %dma_start3A_169 = tpu.memref_slice %arg5[%dma_start3A_167, %dma_start3A_168] : memref<1000x128xf32, #tpu.memory_space<vmem_shared>> -> memref<1000x128xf32, #tpu.memory_space<vmem_shared>>
    tpu.enqueue_indirect_dma source(%dma_start3A_169 : memref<1000x128xf32, #tpu.memory_space<vmem_shared>>) target(%arg10 : memref<128x128xf32, #tpu.memory_space<vmem>>) offsets(%dma_start3A_166 : memref<128xi32, #tpu.memory_space<vmem>>) semaphore(%arg14 : memref<!tpu.dma_semaphore, #tpu.memory_space<semaphore_mem>>)
    %dma_wait3A_170 = arith.constant 0 : i32
    %dma_wait3A_171 = arith.constant 0 : i32
    %dma_wait3A_172 = tpu.memref_slice %arg6[%dma_wait3A_170, %dma_wait3A_171] : memref<50x512xi32, #tpu.memory_space<vmem>> -> memref<1x128xi32, #tpu.memory_space<vmem>>
    %dma_wait3A_173 = tpu.memref_squeeze %dma_wait3A_172 : memref<1x128xi32, #tpu.memory_space<vmem>> -> memref<128xi32, #tpu.memory_space<vmem>>
    %dma_wait3A_174 = arith.constant 0 : i32
    %dma_wait3A_175 = arith.constant 0 : i32
    %dma_wait3A_176 = tpu.memref_slice %arg5[%dma_wait3A_174, %dma_wait3A_175] : memref<1000x128xf32, #tpu.memory_space<vmem_shared>> -> memref<1000x128xf32, #tpu.memory_space<vmem_shared>>
    tpu.wait_indirect_dma semaphore(%arg12 : memref<!tpu.dma_semaphore, #tpu.memory_space<semaphore_mem>>) src(%dma_wait3A_176 : memref<1000x128xf32, #tpu.memory_space<vmem_shared>>) dst(%arg8 : memref<128x128xf32, #tpu.memory_space<vmem>>)
    %add3A_177 = arith.constant 802816 : i32
    %add3A_178 = arith.addi %add3A_177, %mul3A_2 : i32
    %add3A_179 = arith.constant 128 : i32
    %add3A_180 = arith.addi %add3A_178, %add3A_179 : i32
    %dma_start3A_181 = arith.constant 0 : i32
    %dma_start3A_182 = tpu.memref_slice %arg4[%add3A_180, %dma_start3A_181] : memref<819200x128xf32, #tpu.memory_space<hbm>> -> memref<128x128xf32, #tpu.memory_space<hbm>>
    %dma_start3A_183 = arith.constant 0 : i32
    %dma_start3A_184 = tpu.memref_slice %arg4[%add3A_180, %dma_start3A_183] : memref<819200x128xf32, #tpu.memory_space<hbm>> -> memref<128x128xf32, #tpu.memory_space<hbm>>
    tpu.enqueue_dma source(%arg8 : memref<128x128xf32, #tpu.memory_space<vmem>>) target(%dma_start3A_184 : memref<128x128xf32, #tpu.memory_space<hbm>>) target_semaphore(%arg16 : memref<!tpu.dma_semaphore, #tpu.memory_space<semaphore_mem>>)
    %dma_wait3A_185 = arith.constant 0 : i32
    %dma_wait3A_186 = arith.constant 0 : i32
    %dma_wait3A_187 = tpu.memref_slice %arg6[%dma_wait3A_185, %dma_wait3A_186] : memref<50x512xi32, #tpu.memory_space<vmem>> -> memref<1x128xi32, #tpu.memory_space<vmem>>
    %dma_wait3A_188 = tpu.memref_squeeze %dma_wait3A_187 : memref<1x128xi32, #tpu.memory_space<vmem>> -> memref<128xi32, #tpu.memory_space<vmem>>
    %dma_wait3A_189 = arith.constant 0 : i32
    %dma_wait3A_190 = arith.constant 0 : i32
    %dma_wait3A_191 = tpu.memref_slice %arg5[%dma_wait3A_189, %dma_wait3A_190] : memref<1000x128xf32, #tpu.memory_space<vmem_shared>> -> memref<1000x128xf32, #tpu.memory_space<vmem_shared>>
    tpu.wait_indirect_dma semaphore(%arg13 : memref<!tpu.dma_semaphore, #tpu.memory_space<semaphore_mem>>) src(%dma_wait3A_191 : memref<1000x128xf32, #tpu.memory_space<vmem_shared>>) dst(%arg9 : memref<128x128xf32, #tpu.memory_space<vmem>>)
    %add3A_192 = arith.constant 802816 : i32
    %add3A_193 = arith.addi %add3A_192, %mul3A_2 : i32
    %add3A_194 = arith.constant 256 : i32
    %add3A_195 = arith.addi %add3A_193, %add3A_194 : i32
    %dma_start3A_196 = arith.constant 0 : i32
    %dma_start3A_197 = tpu.memref_slice %arg4[%add3A_195, %dma_start3A_196] : memref<819200x128xf32, #tpu.memory_space<hbm>> -> memref<128x128xf32, #tpu.memory_space<hbm>>
    %dma_start3A_198 = arith.constant 0 : i32
    %dma_start3A_199 = tpu.memref_slice %arg4[%add3A_195, %dma_start3A_198] : memref<819200x128xf32, #tpu.memory_space<hbm>> -> memref<128x128xf32, #tpu.memory_space<hbm>>
    tpu.enqueue_dma source(%arg9 : memref<128x128xf32, #tpu.memory_space<vmem>>) target(%dma_start3A_199 : memref<128x128xf32, #tpu.memory_space<hbm>>) target_semaphore(%arg17 : memref<!tpu.dma_semaphore, #tpu.memory_space<semaphore_mem>>)
    %dma_wait3A_200 = arith.constant 0 : i32
    %dma_wait3A_201 = arith.constant 0 : i32
    %dma_wait3A_202 = tpu.memref_slice %arg6[%dma_wait3A_200, %dma_wait3A_201] : memref<50x512xi32, #tpu.memory_space<vmem>> -> memref<1x128xi32, #tpu.memory_space<vmem>>
    %dma_wait3A_203 = tpu.memref_squeeze %dma_wait3A_202 : memref<1x128xi32, #tpu.memory_space<vmem>> -> memref<128xi32, #tpu.memory_space<vmem>>
    %dma_wait3A_204 = arith.constant 0 : i32
    %dma_wait3A_205 = arith.constant 0 : i32
    %dma_wait3A_206 = tpu.memref_slice %arg5[%dma_wait3A_204, %dma_wait3A_205] : memref<1000x128xf32, #tpu.memory_space<vmem_shared>> -> memref<1000x128xf32, #tpu.memory_space<vmem_shared>>
    tpu.wait_indirect_dma semaphore(%arg14 : memref<!tpu.dma_semaphore, #tpu.memory_space<semaphore_mem>>) src(%dma_wait3A_206 : memref<1000x128xf32, #tpu.memory_space<vmem_shared>>) dst(%arg10 : memref<128x128xf32, #tpu.memory_space<vmem>>)
    %add3A_207 = arith.constant 802816 : i32
    %add3A_208 = arith.addi %add3A_207, %mul3A_2 : i32
    %add3A_209 = arith.constant 384 : i32
    %add3A_210 = arith.addi %add3A_208, %add3A_209 : i32
    %dma_start3A_211 = arith.constant 0 : i32
    %dma_start3A_212 = tpu.memref_slice %arg4[%add3A_210, %dma_start3A_211] : memref<819200x128xf32, #tpu.memory_space<hbm>> -> memref<128x128xf32, #tpu.memory_space<hbm>>
    %dma_start3A_213 = arith.constant 0 : i32
    %dma_start3A_214 = tpu.memref_slice %arg4[%add3A_210, %dma_start3A_213] : memref<819200x128xf32, #tpu.memory_space<hbm>> -> memref<128x128xf32, #tpu.memory_space<hbm>>
    tpu.enqueue_dma source(%arg10 : memref<128x128xf32, #tpu.memory_space<vmem>>) target(%dma_start3A_214 : memref<128x128xf32, #tpu.memory_space<hbm>>) target_semaphore(%arg18 : memref<!tpu.dma_semaphore, #tpu.memory_space<semaphore_mem>>)
    %dma_wait3A_215 = arith.constant 0 : i32
    %dma_wait3A_216 = tpu.memref_slice %arg4[%mul3A_2, %dma_wait3A_215] : memref<819200x128xf32, #tpu.memory_space<hbm>> -> memref<128x128xf32, #tpu.memory_space<hbm>>
    %dma_wait3A_217 = arith.constant 0 : i32
    %dma_wait3A_218 = tpu.memref_slice %arg4[%mul3A_2, %dma_wait3A_217] : memref<819200x128xf32, #tpu.memory_space<hbm>> -> memref<128x128xf32, #tpu.memory_space<hbm>>
    tpu.wait_dma2 semaphore(%arg15 : memref<!tpu.dma_semaphore, #tpu.memory_space<semaphore_mem>>) src(%arg7 : memref<128x128xf32, #tpu.memory_space<vmem>>) dst(%dma_wait3A_218 : memref<128x128xf32, #tpu.memory_space<hbm>>)
    %dma_wait3A_219 = arith.constant 0 : i32
    %dma_wait3A_220 = tpu.memref_slice %arg4[%mul3A_2, %dma_wait3A_219] : memref<819200x128xf32, #tpu.memory_space<hbm>> -> memref<128x128xf32, #tpu.memory_space<hbm>>
    %dma_wait3A_221 = arith.constant 0 : i32
    %dma_wait3A_222 = tpu.memref_slice %arg4[%mul3A_2, %dma_wait3A_221] : memref<819200x128xf32, #tpu.memory_space<hbm>> -> memref<128x128xf32, #tpu.memory_space<hbm>>
    tpu.wait_dma2 semaphore(%arg16 : memref<!tpu.dma_semaphore, #tpu.memory_space<semaphore_mem>>) src(%arg8 : memref<128x128xf32, #tpu.memory_space<vmem>>) dst(%dma_wait3A_222 : memref<128x128xf32, #tpu.memory_space<hbm>>)
    %dma_wait3A_223 = arith.constant 0 : i32
    %dma_wait3A_224 = tpu.memref_slice %arg4[%mul3A_2, %dma_wait3A_223] : memref<819200x128xf32, #tpu.memory_space<hbm>> -> memref<128x128xf32, #tpu.memory_space<hbm>>
    %dma_wait3A_225 = arith.constant 0 : i32
    %dma_wait3A_226 = tpu.memref_slice %arg4[%mul3A_2, %dma_wait3A_225] : memref<819200x128xf32, #tpu.memory_space<hbm>> -> memref<128x128xf32, #tpu.memory_space<hbm>>
    tpu.wait_dma2 semaphore(%arg17 : memref<!tpu.dma_semaphore, #tpu.memory_space<semaphore_mem>>) src(%arg9 : memref<128x128xf32, #tpu.memory_space<vmem>>) dst(%dma_wait3A_226 : memref<128x128xf32, #tpu.memory_space<hbm>>)
    %dma_wait3A_227 = arith.constant 0 : i32
    %dma_wait3A_228 = tpu.memref_slice %arg4[%mul3A_2, %dma_wait3A_227] : memref<819200x128xf32, #tpu.memory_space<hbm>> -> memref<128x128xf32, #tpu.memory_space<hbm>>
    %dma_wait3A_229 = arith.constant 0 : i32
    %dma_wait3A_230 = tpu.memref_slice %arg4[%mul3A_2, %dma_wait3A_229] : memref<819200x128xf32, #tpu.memory_space<hbm>> -> memref<128x128xf32, #tpu.memory_space<hbm>>
    tpu.wait_dma2 semaphore(%arg18 : memref<!tpu.dma_semaphore, #tpu.memory_space<semaphore_mem>>) src(%arg10 : memref<128x128xf32, #tpu.memory_space<vmem>>) dst(%dma_wait3A_230 : memref<128x128xf32, #tpu.memory_space<hbm>>)
    return
  }
}

</mosaic_0001>

<sc_bundles>
// kernel: kernel.3.cloned.1.call-start
scs
__scs_entry_jumppad:
0x0: {  	(pc) =	sbr.rel $0x88, $3  }
0x1: {  	(tag) =	ssettag $0x0;
	lr =	simm.s32 $0x1  }
0x2: {  	[smem:$0x3F9F] =	sst lr;
	_ =	strace $0xD0000000  }
0x3: {  	_ = 	snop  }
0x4: {  	_ = 	snop  }
0x5: {  	_ = 	snop  }
0x6: {  	_ = 	snop  }
0x7: {  	_ = 	snop  }
__scs_overlays_trampoline_lowered:
0x8: {  	[smem:$0x3FAE] =	sst s0  }
0x9: {  	[smem:$0x3FAF] =	sst s1  }
0xa: {  	[smem:$0x3FB0] =	sst s2  }
0xb: {  	[smem:$0x3FB1] =	sst s3  }
0xc: {  	[smem:$0x3FB2] =	sst s4  }
0xd: {  	[smem:$0x3FB3] =	sst s5  }
0xe: {  	[smem:$0x3FB4] =	sst s6  }
0xf: {  	[smem:$0x3FB5] =	sst s7  }
0x10: {  	[smem:$0x3FB6] =	sst s8  }
0x11: {  	[smem:$0x3FB7] =	sst s9;
	s0 =	simm.s32 @!p0 $0x0  }
0x12: {  	s1 =	sld [smem:$0x3F9D];
	s0 =	simm.s32 @p0 $0x1  }
0x13: {  	[smem:$0x3FB8] =	sst s0;
	s0 =	simm.s32 @!p1 $0x0  }
0x14: {  	s2 =	sld [smem:$0x3F9C];
	s0 =	simm.s32 @p1 $0x1  }
0x15: {  	[smem:$0x3FB9] =	sst s0;
	s0 =	simm.s32 @!p2 $0x0  }
0x16: {  	s3 =	sld [smem:$0x3FDB];
	s0 =	simm.s32 @p2 $0x1  }
0x17: {  	s4 =	simm.s32 $0x1BF5;
	[smem:$0x3FBB] =	sst s0  }
0x18: {  	s0 =	sld [smem:$0x3F9E];
	_ =	swait.ge [sflag:s4], $0x0  }
0x19: {  	s7 =	sld [smem:$0x3F9F]  }
0x1a: {  	s8 =	sadd.s32 $0xFFFFE003, lr  }
0x1b: {  	s9 =	sadd.s32 $0xFFFFFEF7, lr;
	s5 =	simm.s32 $0xFFFFFFFF;
	p2 =	slt.u32 s8, $0xFFFFF086  }
0x1c: {  	p1 =	slt.u32 s9, $0xF7A;
	s5 =	simm.s32 @!p2 $0x0  }
0x1d: {  	s5 =	simm.s32 @p1 $0x1;
	p0 =	seq.s32 s7, s2  }
0x1e: {  	s7 =	smul.u32 @!p0 $0xF7A, s2;
	p2 =	seq.s32 @!p0 s5, $0x0  }
0x1f: {  	s9 =	smul.u32 $0xF7A, s1;
	s8 =	simm.s32 @!p0 $0x1BF5;
	p2 =	por !p2, p0  }
0x20: {  	[sflag:s8] =	ssyncset.s32 @!p0 $0xFFFFF086;
	s6 =	sadd.s32 @!p0 s3, s7;
	s7 =	simm.s32 @!p0 $0x108  }
0x21: {  	s3 =	sadd.s32 s3, s9;
	s6 =	sadd.s32 @!p0 $0x88, s6;
	s7 =	simm.s32 @p2 $0x1082  }
0x22: {  	[simem:s7], [sflag:s8] =	dma.local @!p0 [hbm:s6], $0xF7A  }
0x23: {  	s9 =	sor.u32 $0xD0000000, s2;
	s6 =	simm.s32 $0x108;
	_ =	swait.ge @!p0 [sflag:s8], $0x0  }
0x24: {  	s3 =	sadd.s32 $0x88, s3;
	s6 =	simm.s32 @!p1 $0x1082;
	[sflag:s4] =	ssyncset.s32 $0xFFFFF086  }
0x25: {  	[simem:s6], [sflag:s4] =	dma.local [hbm:s3], $0xF7A  }
0x26: {  	[smem:$0x3F9F] =	sst s1;
	(tag) =	ssettag s2;
	_ =	strace s9  }
0x27: {  	s1 =	sld [smem:$0x3FAF]  }
0x28: {  	s2 =	sld [smem:$0x3FB0]  }
0x29: {  	s4 =	sld [smem:$0x3FB2]  }
0x2a: {  	p0 =	seq.s32 s5, $0x0;
	s5 =	sld [smem:$0x3FB3]  }
0x2b: {  	s6 =	sld [smem:$0x3FB4]  }
0x2c: {  	s7 =	sld [smem:$0x3FB5]  }
0x2d: {  	s3 =	simm.s32 $0x108;
	s8 =	sld [smem:$0x3FB6]  }
0x2e: {  	s3 =	simm.s32 @!p0 $0x1082;
	s9 =	sld [smem:$0x3FB7]  }
0x2f: {  	lr =	sadd.s32 s0, s3;
	s0 =	sld [smem:$0x3FAE]  }
0x30: {  	s3 =	sld [smem:$0x3FB1]  }
0x31: {  	[smem:$0x3FBA] =	sst s10  }
0x32: {  	s10 =	sld [smem:$0x3FB8];
	_ =	sdelay $0x3  }
0x33: {  	p0 =	seq.s32 s10, $0x1;
	s10 =	sld [smem:$0x3FBA];
	_ =	sdelay $0x3  }
0x34: {  	[smem:$0x3FBA] =	sst s10  }
0x35: {  	s10 =	sld [smem:$0x3FB9];
	_ =	sdelay $0x3  }
0x36: {  	p1 =	seq.s32 s10, $0x1;
	s10 =	sld [smem:$0x3FBA];
	_ =	sdelay $0x3  }
0x37: {  	[smem:$0x3FBA] =	sst s10  }
0x38: {  	s10 =	sld [smem:$0x3FBB]  }
0x39: {  	_ = 	snop;
	(pc) =	sbr.ind lr, $3  }
0x3a: {  	_ = 	snop  }
0x3b: {  	_ = 	snop  }
0x3c: {  	p2 =	seq.s32 s10, $0x1;
	s10 =	sld [smem:$0x3FBA]  }
0x3d: {  	_ =	shalt  }
0x3e: {  	_ =	shalt  }
0x3f: {  	_ =	shalt  }
0x40: {  	_ =	shalt  }
0x41: {  	_ =	shalt  }
0x42: {  	_ =	shalt  }
0x43: {  	_ =	shalt  }
0x44: {  	_ =	shalt  }
0x45: {  	_ =	shalt  }
0x46: {  	_ =	shalt  }
0x47: {  	_ =	shalt  }
0x48: {  	_ =	shalt  }
0x49: {  	_ =	shalt  }
0x4a: {  	_ =	shalt  }
0x4b: {  	_ =	shalt  }
0x4c: {  	_ =	shalt  }
0x4d: {  	_ =	shalt  }
0x4e: {  	_ =	shalt  }
0x4f: {  	_ =	shalt  }
0x50: {  	_ =	shalt  }
0x51: {  	_ =	shalt  }
0x52: {  	_ =	shalt  }
0x53: {  	_ =	shalt  }
0x54: {  	_ =	shalt  }
0x55: {  	_ =	shalt  }
0x56: {  	_ =	shalt  }
0x57: {  	_ =	shalt  }
0x58: {  	_ =	shalt  }
0x59: {  	_ =	shalt  }
0x5a: {  	_ =	shalt  }
0x5b: {  	_ =	shalt  }
0x5c: {  	_ =	shalt  }
0x5d: {  	_ =	shalt  }
0x5e: {  	_ =	shalt  }
0x5f: {  	_ =	shalt  }
0x60: {  	_ =	shalt  }
0x61: {  	_ =	shalt  }
0x62: {  	_ =	shalt  }
0x63: {  	_ =	shalt  }
0x64: {  	_ =	shalt  }
0x65: {  	_ =	shalt  }
0x66: {  	_ =	shalt  }
0x67: {  	_ =	shalt  }
0x68: {  	_ =	shalt  }
0x69: {  	_ =	shalt  }
0x6a: {  	_ =	shalt  }
0x6b: {  	_ =	shalt  }
0x6c: {  	_ =	shalt  }
0x6d: {  	_ =	shalt  }
0x6e: {  	_ =	shalt  }
0x6f: {  	_ =	shalt  }
0x70: {  	_ =	shalt  }
0x71: {  	_ =	shalt  }
0x72: {  	_ =	shalt  }
0x73: {  	_ =	shalt  }
0x74: {  	_ =	shalt  }
0x75: {  	_ =	shalt  }
0x76: {  	_ =	shalt  }
0x77: {  	_ =	shalt  }
0x78: {  	_ =	shalt  }
0x79: {  	_ =	shalt  }
0x7a: {  	_ =	shalt  }
0x7b: {  	_ =	shalt  }
0x7c: {  	_ =	shalt  }
0x7d: {  	_ =	shalt  }
0x7e: {  	_ =	shalt  }
0x7f: {  	_ =	shalt  }
0x80: {  	_ =	shalt  }
0x81: {  	_ =	shalt  }
0x82: {  	_ =	shalt  }
0x83: {  	_ =	shalt  }
0x84: {  	_ =	shalt  }
0x85: {  	_ =	shalt  }
0x86: {  	_ =	shalt  }
0x87: {  	_ =	shalt  }
.Lfunc_end0:
.L_simem_size_0:
called_computation_lowered:
.L_overlay_start_0:
0x88: {  	s2 =	sld [smem:$0x3FD9]  }
0x89: {  	s3 =	sld [smem:$0x3FFE];
	_ =	sdelay $0x1  }
0x8a: {  	s1 =	srdreg.scid  }
0x8b: {  	s0 =	sand.u32 $0x1, s1  }
0x8c: {  	s18 =	sshll.u32 s0, $0xA;
	s2 =	sadd.s32 s3, s2  }
0x8d: {  	s2 =	sadd.s32 s2, s18  }
0x8e: {  	[smem:$0x3FC6] =	sst s2  }
0x8f: {  	_ = 	snop  }
0x90: {  	s2 =	sld [smem:$0x3FC9]  }
0x91: {  	s19 =	sld [smem:$0x3FC8]  }
0x92: {  	s4 =	sld [smem:$0x3FD0];
	(tm) =	ssettm $0x1  }
0x93: {  	s5 =	sld [smem:$0x3FFB];
	_ =	sdelay $0x3  }
0x94: {  	_ =	strace s5  }
0x95: {  	s5 =	sld [smem:$0x3FFC];
	_ =	sdelay $0x3  }
0x96: {  	_ =	strace s5  }
0x97: {  	s5 =	sld [smem:$0x3FFD];
	_ =	sdelay $0x3  }
0x98: {  	_ =	strace s5  }
0x99: {  	_ =	strace $0x8FFFFFFF  }
0x9a: {  	s20 =	sld [smem:$0x3FDB];
	_ =	sdelay $0x1  }
0x9b: {  	s6 =	simm.s32 $_scs_section_size  }
0x9c: {  	s7 =	simm.s32 $_size__tile_overlayer_lowered;
	s8 =	simm.s32 $_tile_overlayer_lowered  }
0x9d: {  	s23 =	simm.s32 $0x1BFF;
	s22 =	sshll.u32 s8, $0x1;
	s5 =	sadd.s32 s6, s20  }
0x9e: {  	s9 =	simm.s32 $0x0;
	s21 =	sshll.u32 s7, $0x1;
	s7 =	sadd.s32 s22, s5  }
0x9f: {  	[timem:s9], [sflag:s23] =	dma.local [hbm:s7], s21  }
0xa0: {  	_ =	swait.ge [sflag:s23], s21  }
0xa1: {  	s6 =	ssub.s32 $0x0, s21;
	[sflag:s23] =	ssyncset.done $0x0  }
0xa2: {  	[sflag:s23] =	ssyncadd.s32 s6;
	_ =	sdelay $0x1  }
0xa3: {  	s24 =	simm.s32 $0x1B8B  }
0xa4: {  	_ =	swait.ge [sflag:s24], $0x1  }
0xa5: {  	[sflag:s24] =	ssyncset.done $0x0  }
0xa6: {  	s25 =	simm.s32 $0x1B8E;
	[sflag:s24] =	ssyncadd.s32 $0xFFFFFFFF  }
0xa7: {  	s26 =	simm.s32 $execute0_lowered;
	[smem:$0x3FD2] =	sst s25  }
0xa8: {  	s6 =	sshll.u32 s26, $0x1;
	_ =	strace $0x80000046;
	[dreg:$0x1] =	wrdreg $0xFFFFFFFF  }
0xa9: {  	s28 =	simm.s32 $_size_execute0_lowered;
	s5 =	sadd.s32 s5, s6;
	[dreg:$0x0] =	wrdreg $0x0  }
0xaa: {  	s6 =	sshll.u32 s28, $0x1;
	[dreg:$0x2] =	wrdreg s5  }
0xab: {  	[dreg:$0x3] =	wrdreg s6  }
0xac: {  	[dreg:$0x4] =	wrdreg $0xC0  }
0xad: {  	_ =	task [dreg:s9], $0x5FFFF  }
0xae: {  	[dreg:$0x1] =	wrdreg $0xFFFFFFFF  }
0xaf: {  	[dreg:$0x0] =	wrdreg $0x60  }
0xb0: {  	[dreg:$0x2] =	wrdreg s2  }
0xb1: {  	[dreg:$0x3] =	wrdreg s19  }
0xb2: {  	[dreg:$0x4] =	wrdreg s4  }
0xb3: {  	[dreg:$0x5] =	wrdreg $0x0  }
0xb4: {  	[dreg:$0x6] =	wrdreg $0x9  }
0xb5: {  	_ =	task.clear_ibuf [dreg:s9], $0x7FFFF;
	_ =	strace $0x90000046  }
0xb6: {  	s29 =	simm.s32 $0x9;
	_ =	strace $0x80000048  }
0xb7: {  	_ =	swait.ge [sflag:s29], $0x1  }
0xb8: {  	[sflag:s29] =	ssyncadd.s32 $0xFFFFFFFF  }
0xb9: {  	_ =	strace $0x90000048  }
0xba: {  	_ =	sfence  }
0xbb: {  	s30 =	sld [smem:$0x0];
	_ =	sdelay $0x2  }
0xbc: {  	s31 =	sshll.u32 s1, $0xD;
	s1 =	sshrl.u32 s1, $0x2  }
0xbd: {  	s3 =	sand.u32 $0x4000, s31;
	s1 =	sadd.s32 s1, s30  }
0xbe: {  	s0 =	sor.u32 s3, s0;
	s1 =	sshll.u32 s1, $0x11  }
0xbf: {  	s0 =	sor.u32 s1, s0  }
0xc0: {  	s0 =	sadd.s32 $0x8F2B, s0  }
0xc1: {  	[sflag:s0] =	ssyncadd.remote.s32 $0x1  }
0xc2: {  	_ =	sfence.sel $0xFFFF  }
0xc3: {  	[dreg:$0x0] =	wrdreg $0xFFFFFFFF;
	(pc) =	sbr.abs _section_cstart, $3  }
0xc4: {  	[dreg:$0x1] =	wrdreg $0xFFFFFFFF  }
0xc5: {  	_ =	task.clear_ibuf [dreg:s9], $0x2FFFF;
	_ =	strace $0x9FFFFFFF  }
0xc6: {  	(tm) =	ssettm $0x7FFFFFFF  }
0xc7: {  	_ =	shalt  }
tec
execute0_lowered:
.L_overlay_start_1:
0x0: {  	(tag) =	ssettag $0x1  }
0x1: {  	s0 =	rddreg [dreg:$0x0]  }
0x2: {  	s2 =	rddreg [dreg:$0x1]  }
0x3: {  	s4 =	rddreg [dreg:$0x2]  }
0x4: {  	s1 =	rddreg [dreg:$0x3]  }
0x5: {  	s3 =	simm.s32 $0x0;
	s5 =	srdreg.scid;
	s10 =	stileid.u32  }
0x6: {  	s18 =	simm.s32 $0x1F40;
	s19 =	simm.s32 $0x8F40;
	s28 =	simm.s32 $0x1  }
0x7: {  	s30 =	simm.s32 $0x14F40;
	s31 =	simm.s32 $0x2;
	s16 =	simm.s32 $0x3  }
0x8: {  	s17 =	simm.s32 $0x6;
	s29 =	simm.s32 $0x7;
	[smem:$0x7FF] =	sst s3  }
0x9: {  	s5 =	sand.u32 $0x1, s5;
	s7 =	sshll.u32 s10, $0xA;
	s20 =	sshll.u32 s10, $0x6  }
0xa: {  	s25 =	sshll.u32 s10, $0xE;
	_ =	strace $0x80000047;
	s6 =	ssub.s32 $0x2, s5  }
0xb: {  	s8 =	sshll.u32 s5, $0x9;
	s21 =	smin.u32 s20, $0x3A8;
	s26 =	sshll.u32 s5, $0xD  }
0xc: {  	s20 =	simm.s32 $0xA;
	s9 =	sshrl.u32 s6, $0x1;
	s7 =	sor.u32 s8, s7  }
0xd: {  	s8 =	sshll.u32 s21, $0x4;
	s6 =	ssub.s32 s6, s9;
	s0 =	sadd.s32 s0, s7  }
0xe: {  	s7 =	sshll.u32 s7, $0x4;
	s2 =	sadd.s32 s2, s8;
	[dreg:$0x6] =	wrdreg s0  }
0xf: {  	s0 =	sshll.u32 s21, $0x7;
	[dreg:$0x7] =	wrdreg s2;
	s7 =	sadd.s32 s4, s7  }
0x10: {  	s15 =	smax.u32 s6, $0x1;
	s21 =	simm.s32 $0x9;
	s0 =	sadd.s32 s0, s1  }
0x11: {  	s2 =	simm.s32 $0x8;
	s22 =	sadd.s32 $0x800, s7;
	[dreg:$0x8] =	wrdreg s0  }
0x12: {  	s23 =	sadd.s32 $0x1000, s7;
	s24 =	sadd.s32 $0x1800, s7;
	[dreg:$0x9] =	wrdreg s22  }
0x13: {  	s11 =	sadd.s32 $0xC40000, s7;
	s12 =	sadd.s32 $0xC40800, s7;
	[dreg:$0xa] =	wrdreg s23  }
0x14: {  	s13 =	sadd.s32 $0xC41000, s7;
	s14 =	sadd.s32 $0xC41800, s7;
	[dreg:$0xb] =	wrdreg s24  }
0x15: {  	s0 =	sadd.s32 s25, s4;
	s22 =	simm.s32 $0x80;
	s24 =	simm.s32 $0xCF40  }
0x16: {  	s25 =	simm.s32 $0x4;
	s23 =	simm.s32 $0x0;
	s0 =	sadd.s32 s26, s0  }
0x17: {  	s26 =	simm.s32 $0x10F40;
	[dreg:$0x5] =	wrdreg s0;
	s0 =	simm.s32 $0x5  }
.LBB2_1:
0x18: {  	s4 =	rddreg [dreg:$0x6];
	s5 =	simm.s32 $0x1000;
	s6 =	simm.s32 $0x20000  }
0x19: {  	[tilespmem:s18], [sflag:$0x9] =	stream.strided.gather [hbm4b:s4+s5], $0x7000, s6, s5, $0x38;
	[tilespmem:$0x18F40] =	vst v63  }
0x1a: {  	s10 =	rddreg [dreg:$0x7]  }
0x1b: {  	[tilespmem:s19], [sflag:$0xA] =	stream.linear.gather [hbm4b:s10+s3], $0x2000, $0x38;
	[tilespmem:$0x18F40] =	vst v63  }
0x1c: {  	_ =	swait.ge [sflag:s20], $0x2000  }
0x1d: {  	[sflag:s20] =	ssyncset.done $0x0  }
0x1e: {  	s4 =	simm.s32 $0x0;
	[sflag:s20] =	ssyncadd.s32 $0xFFFFE000  }
0x1f: {  	v3 =	vld [tilespmem:s4+$0x8F40]  }
0x20: {  	v5 =	vld [tilespmem:s4+$0x8F50]  }
0x21: {  	v4 =	vld [tilespmem:s4+$0x8F60]  }
0x22: {  	v2 =	vld [tilespmem:s4+$0x8F70]  }
0x23: {  	v0 =	vld [tilespmem:s4+$0x8F80]  }
0x24: {  	v1 =	vld [tilespmem:s4+$0x8F90];
	v6 =	vmul.f32 $1.131370830e+01, v3  }
0x25: {  	s5 =	simm.s32 $0x200;
	v5 =	vmul.f32 $1.131370830e+01, v5;
	v3 =	vld [tilespmem:s4+$0x8FA0]  }
.LBB2_2:
0x26: {  	s6 =	sshra.s32 s5, $0x2;
	p0 =	sne.s32 s5, $0x7E00;
	[tilespmem:s4+$0x8F40] =	vst v6;
	v4 =	vmul.f32 $1.131370830e+01, v4;
	v6 =	vld [tilespmem:s4+$0x8FB0]  }
0x27: {  	v7 =	vld [tilespmem:s6+$0x8F40];
	[tilespmem:s4+$0x8F50] =	vst v5;
	v2 =	vmul.f32 $1.131370830e+01, v2  }
0x28: {  	v5 =	vld [tilespmem:s6+$0x8F50];
	[tilespmem:s4+$0x8F60] =	vst v4;
	v0 =	vmul.f32 $1.131370830e+01, v0  }
.Ltmp0:
0x29: {  	v4 =	vld [tilespmem:s6+$0x8F60];
	[tilespmem:s4+$0x8F70] =	vst v2;
	v1 =	vmul.f32 $1.131370830e+01, v1;
	(pc) =	sbr.rel @p0 .LBB2_2-.Ltmp0, $4  }
0x2a: {  	v2 =	vld [tilespmem:s6+$0x8F70];
	[tilespmem:s4+$0x8F80] =	vst v0;
	v3 =	vmul.f32 $1.131370830e+01, v3  }
0x2b: {  	v0 =	vld [tilespmem:s6+$0x8F80];
	[tilespmem:s4+$0x8F90] =	vst v1;
	v8 =	vmul.f32 $1.131370830e+01, v6  }
0x2c: {  	v6 =	vmul.f32 $1.131370830e+01, v7;
	v1 =	vld [tilespmem:s6+$0x8F90];
	[tilespmem:s4+$0x8FA0] =	vst v3  }
0x2d: {  	s5 =	sadd.s32 $0x200, s5;
	v5 =	vmul.f32 $1.131370830e+01, v5;
	v3 =	vld [tilespmem:s6+$0x8FA0];
	[tilespmem:s4+$0x8FB0] =	vst v8;
	s4 =	smov.u32 s6  }
0x2e: {  	[tilespmem:s4+$0x8F40] =	vst v6;
	v4 =	vmul.f32 $1.131370830e+01, v4;
	v61 =	vld [tilespmem:s4+$0x8FB0]  }
0x2f: {  	[tilespmem:s4+$0x8F50] =	vst v5;
	v2 =	vmul.f32 $1.131370830e+01, v2  }
0x30: {  	[tilespmem:s4+$0x8F60] =	vst v4;
	v0 =	vmul.f32 $1.131370830e+01, v0  }
0x31: {  	[tilespmem:s4+$0x8F70] =	vst v2;
	v1 =	vmul.f32 $1.131370830e+01, v1  }
0x32: {  	[tilespmem:s4+$0x8F80] =	vst v0;
	v62 =	vmul.f32 $1.131370830e+01, v3  }
0x33: {  	[tilespmem:s4+$0x8F90] =	vst v1;
	v63 =	vmul.f32 $1.131370830e+01, v61  }
0x34: {  	[tilespmem:s4+$0x8FA0] =	vst v62  }
0x35: {  	s6 =	rddreg [dreg:$0x8];
	[tilespmem:s4+$0x8FB0] =	vst v63  }
0x36: {  	[spmem:s6] =	stream.linear.scatter [tilespmem:s19], [sflag:$0xA], $0x2000, $0x38;
	[tilespmem:$0x18F40] =	vst v63  }
0x37: {  	_ =	swait.ge [sflag:s20], $0x2000  }
0x38: {  	[sflag:s20] =	ssyncset.done $0x0  }
0x39: {  	[sflag:s20] =	ssyncadd.s32 $0xFFFFE000  }
0x3a: {  	_ =	swait.ge [sflag:s21], $0x7000  }
0x3b: {  	[sflag:s21] =	ssyncset.done $0x0  }
0x3c: {  	[sflag:s21] =	ssyncadd.s32 $0xFFFF9000  }
0x3d: {  	[bflag:$0x0] =	sbarrier.arrive $0xFFFF  }
0x3e: {  	[tilespmem:s19], [sflag:$0x1] =	stream.indirect.gather [spmem:s1], $0x80, s18, s22, $0xb8;
	[tilespmem:$0x18F40] =	vst v63  }
0x3f: {  	s8 =	simm.s32 $0x2340  }
0x40: {  	[tilespmem:s24], [sflag:$0x2] =	stream.indirect.gather [spmem:s1], $0x80, s8, s22, $0xb8;
	[tilespmem:$0x18F40] =	vst v63  }
0x41: {  	s9 =	simm.s32 $0x2740  }
0x42: {  	[tilespmem:s26], [sflag:$0x3] =	stream.indirect.gather [spmem:s1], $0x80, s9, s22, $0xb8;
	[tilespmem:$0x18F40] =	vst v63  }
0x43: {  	_ =	swait.ge [sflag:s28], $0x4000  }
0x44: {  	[sflag:s28] =	ssyncset.done $0x0  }
0x45: {  	s4 =	simm.s32 $0x0;
	[sflag:s28] =	ssyncadd.s32 $0xFFFFC000  }
0x46: {  	[hbm4b:s7+s4] =	stream.linear.scatter [tilespmem:s19], [sflag:$0x5], $0x4000, $0x38;
	[tilespmem:$0x18F40] =	vst v63  }
0x47: {  	s5 =	simm.s32 $0x2B40  }
0x48: {  	[tilespmem:s30], [sflag:$0x4] =	stream.indirect.gather [spmem:s1], $0x80, s5, s22, $0xb8;
	[tilespmem:$0x18F40] =	vst v63  }
0x49: {  	_ =	swait.ge [sflag:s31], $0x4000  }
0x4a: {  	[sflag:s31] =	ssyncset.done $0x0  }
0x4b: {  	s10 =	rddreg [dreg:$0x9];
	[sflag:s31] =	ssyncadd.s32 $0xFFFFC000  }
0x4c: {  	[hbm4b:s10+s4] =	stream.linear.scatter [tilespmem:s24], [sflag:$0x6], $0x4000, $0x38;
	[tilespmem:$0x18F40] =	vst v63  }
0x4d: {  	_ =	swait.ge [sflag:s0], $0x4000  }
0x4e: {  	[sflag:s0] =	ssyncset.done $0x0  }
0x4f: {  	s6 =	simm.s32 $0x1FC0;
	[sflag:s0] =	ssyncadd.s32 $0xFFFFC000  }
0x50: {  	[tilespmem:s19], [sflag:$0x1] =	stream.indirect.gather [spmem:s1], $0x80, s6, s22, $0xb8;
	[tilespmem:$0x18F40] =	vst v63  }
0x51: {  	_ =	swait.ge [sflag:s16], $0x4000  }
0x52: {  	[sflag:s16] =	ssyncset.done $0x0  }
0x53: {  	s8 =	rddreg [dreg:$0xa];
	[sflag:s16] =	ssyncadd.s32 $0xFFFFC000  }
0x54: {  	[hbm4b:s8+s4] =	stream.linear.scatter [tilespmem:s26], [sflag:$0x7], $0x4000, $0x38;
	[tilespmem:$0x18F40] =	vst v63  }
0x55: {  	_ =	swait.ge [sflag:s17], $0x4000  }
0x56: {  	[sflag:s17] =	ssyncset.done $0x0  }
0x57: {  	s9 =	simm.s32 $0x23C0;
	[sflag:s17] =	ssyncadd.s32 $0xFFFFC000  }
0x58: {  	[tilespmem:s24], [sflag:$0x2] =	stream.indirect.gather [spmem:s1], $0x80, s9, s22, $0xb8;
	[tilespmem:$0x18F40] =	vst v63  }
0x59: {  	_ =	swait.ge [sflag:s25], $0x4000  }
0x5a: {  	s6 =	simm.s32 $0x200;
	[sflag:s25] =	ssyncset.done $0x0  }
0x5b: {  	s8 =	simm.s32 $0x80;
	s10 =	rddreg [dreg:$0xb];
	[sflag:s25] =	ssyncadd.s32 $0xFFFFC000  }
0x5c: {  	[hbm4b:s10+s4] =	stream.linear.scatter [tilespmem:s30], [sflag:$0x8], $0x4000, $0x38;
	[tilespmem:$0x18F40] =	vst v63  }
0x5d: {  	s5 =	sand.u32 $0x380, s8;
	s4 =	sand.u32 $0x7000, s6;
	_ =	swait.ge [sflag:s29], $0x4000  }
0x5e: {  	s4 =	sor.u32 s5, s4;
	[sflag:s29] =	ssyncset.done $0x0  }
0x5f: {  	s5 =	sadd.s32 $0x2740, s4;
	[sflag:s29] =	ssyncadd.s32 $0xFFFFC000  }
0x60: {  	[tilespmem:s26], [sflag:$0x3] =	stream.indirect.gather [spmem:s1], $0x80, s5, s22, $0xb8;
	[tilespmem:$0x18F40] =	vst v63  }
0x61: {  	_ =	swait.ge [sflag:s28], $0x4000  }
0x62: {  	s9 =	rddreg [dreg:$0x5]  }
0x63: {  	[sflag:s28] =	ssyncset.done $0x0;
	s6 =	sadd.s32 $0x0, s9  }
0x64: {  	[sflag:s28] =	ssyncadd.s32 $0xFFFFC000;
	s5 =	sadd.s32 $0x40000, s6  }
0x65: {  	[hbm4b:s5+s3] =	stream.linear.scatter [tilespmem:s19], [sflag:$0x5], $0x4000, $0x38;
	[tilespmem:$0x18F40] =	vst v63  }
0x66: {  	_ =	swait.ge [sflag:s2], $0x4000  }
0x67: {  	[sflag:s2] =	ssyncset.done $0x0  }
0x68: {  	s4 =	sadd.s32 $0x2B40, s4;
	[sflag:s2] =	ssyncadd.s32 $0xFFFFC000  }
0x69: {  	[tilespmem:s30], [sflag:$0x4] =	stream.indirect.gather [spmem:s1], $0x80, s4, s22, $0xb8;
	[tilespmem:$0x18F40] =	vst v63  }
0x6a: {  	_ =	swait.ge [sflag:s31], $0x4000  }
0x6b: {  	s10 =	simm.s32 $0x100;
	[sflag:s31] =	ssyncset.done $0x0  }
0x6c: {  	s9 =	simm.s32 $0x400;
	s8 =	sadd.s32 $0x40800, s6;
	[sflag:s31] =	ssyncadd.s32 $0xFFFFC000  }
0x6d: {  	[hbm4b:s8+s3] =	stream.linear.scatter [tilespmem:s24], [sflag:$0x6], $0x4000, $0x38;
	[tilespmem:$0x18F40] =	vst v63  }
0x6e: {  	s5 =	sand.u32 $0xF000, s9;
	s4 =	sand.u32 $0x380, s10;
	_ =	swait.ge [sflag:s0], $0x4000  }
0x6f: {  	s4 =	sor.u32 s4, s5;
	[sflag:s0] =	ssyncset.done $0x0  }
0x70: {  	s5 =	sadd.s32 $0x1F40, s4;
	[sflag:s0] =	ssyncadd.s32 $0xFFFFC000  }
0x71: {  	[tilespmem:s19], [sflag:$0x1] =	stream.indirect.gather [spmem:s1], $0x80, s5, s22, $0xb8;
	[tilespmem:$0x18F40] =	vst v63  }
0x72: {  	_ =	swait.ge [sflag:s16], $0x4000  }
0x73: {  	[sflag:s16] =	ssyncset.done $0x0  }
0x74: {  	s10 =	sadd.s32 $0x41000, s6;
	[sflag:s16] =	ssyncadd.s32 $0xFFFFC000  }
0x75: {  	[hbm4b:s10+s3] =	stream.linear.scatter [tilespmem:s26], [sflag:$0x7], $0x4000, $0x38;
	[tilespmem:$0x18F40] =	vst v63  }
0x76: {  	_ =	swait.ge [sflag:s17], $0x4000  }
0x77: {  	[sflag:s17] =	ssyncset.done $0x0  }
0x78: {  	s4 =	sadd.s32 $0x2340, s4;
	[sflag:s17] =	ssyncadd.s32 $0xFFFFC000  }
0x79: {  	[tilespmem:s24], [sflag:$0x2] =	stream.indirect.gather [spmem:s1], $0x80, s4, s22, $0xb8;
	[tilespmem:$0x18F40] =	vst v63  }
0x7a: {  	_ =	swait.ge [sflag:s25], $0x4000  }
0x7b: {  	s8 =	sadd.s32 $0x41800, s6;
	s6 =	simm.s32 $0x180;
	[sflag:s25] =	ssyncset.done $0x0  }
0x7c: {  	s5 =	simm.s32 $0x600;
	s4 =	simm.s32 $0x40000;
	[sflag:s25] =	ssyncadd.s32 $0xFFFFC000  }
.LBB2_4:
0x7d: {  	[hbm4b:s8+s3] =	stream.linear.scatter [tilespmem:s30], [sflag:$0x8], $0x4000, $0x38;
	[tilespmem:$0x18F40] =	vst v63  }
0x7e: {  	s9 =	sadd.s32 $0xFFFFFE00, s5;
	s10 =	sadd.s32 $0xFFFFFF80, s6  }
0x7f: {  	_ =	swait.ge [sflag:s29], $0x4000;
	s9 =	sand.u32 $0x7000, s9;
	s10 =	sand.u32 $0x380, s10  }
0x80: {  	[sflag:s29] =	ssyncset.done $0x0;
	s9 =	sor.u32 s10, s9  }
0x81: {  	[sflag:s29] =	ssyncadd.s32 $0xFFFFC000;
	s10 =	sadd.s32 $0x2740, s9  }
0x82: {  	[tilespmem:s26], [sflag:$0x3] =	stream.indirect.gather [spmem:s1], $0x80, s10, s22, $0xb8;
	[tilespmem:$0x18F40] =	vst v63  }
0x83: {  	_ =	swait.ge [sflag:s28], $0x4000  }
0x84: {  	s8 =	smov.u32 s4;
	s10 =	rddreg [dreg:$0x5]  }
0x85: {  	[sflag:s28] =	ssyncset.done $0x0;
	s8 =	sadd.s32 s8, s10  }
0x86: {  	[sflag:s28] =	ssyncadd.s32 $0xFFFFC000;
	s10 =	sadd.s32 $0x40000, s8  }
0x87: {  	[hbm4b:s10+s3] =	stream.linear.scatter [tilespmem:s19], [sflag:$0x5], $0x4000, $0x38;
	[tilespmem:$0x18F40] =	vst v63  }
0x88: {  	_ =	swait.ge [sflag:s2], $0x4000  }
0x89: {  	[sflag:s2] =	ssyncset.done $0x0  }
0x8a: {  	s9 =	sadd.s32 $0x2B40, s9;
	[sflag:s2] =	ssyncadd.s32 $0xFFFFC000  }
0x8b: {  	[tilespmem:s30], [sflag:$0x4] =	stream.indirect.gather [spmem:s1], $0x80, s9, s22, $0xb8;
	[tilespmem:$0x18F40] =	vst v63  }
0x8c: {  	_ =	swait.ge [sflag:s31], $0x4000  }
0x8d: {  	[sflag:s31] =	ssyncset.done $0x0  }
0x8e: {  	s10 =	sadd.s32 $0x40800, s8;
	[sflag:s31] =	ssyncadd.s32 $0xFFFFC000  }
0x8f: {  	[hbm4b:s10+s3] =	stream.linear.scatter [tilespmem:s24], [sflag:$0x6], $0x4000, $0x38;
	[tilespmem:$0x18F40] =	vst v63  }
0x90: {  	s9 =	sand.u32 $0xF000, s5;
	s10 =	sand.u32 $0x380, s6;
	_ =	swait.ge [sflag:s0], $0x4000  }
0x91: {  	s9 =	sor.u32 s10, s9;
	[sflag:s0] =	ssyncset.done $0x0  }
0x92: {  	s10 =	sadd.s32 $0x1F40, s9;
	[sflag:s0] =	ssyncadd.s32 $0xFFFFC000  }
0x93: {  	[tilespmem:s19], [sflag:$0x1] =	stream.indirect.gather [spmem:s1], $0x80, s10, s22, $0xb8;
	[tilespmem:$0x18F40] =	vst v63  }
0x94: {  	_ =	swait.ge [sflag:s16], $0x4000  }
0x95: {  	[sflag:s16] =	ssyncset.done $0x0  }
0x96: {  	s10 =	sadd.s32 $0x41000, s8;
	[sflag:s16] =	ssyncadd.s32 $0xFFFFC000  }
0x97: {  	[hbm4b:s10+s3] =	stream.linear.scatter [tilespmem:s26], [sflag:$0x7], $0x4000, $0x38;
	[tilespmem:$0x18F40] =	vst v63  }
0x98: {  	_ =	swait.ge [sflag:s17], $0x4000  }
0x99: {  	p0 =	sne.s32 s4, $0xBC0000;
	[sflag:s17] =	ssyncset.done $0x0  }
.Ltmp1:
0x9a: {  	s9 =	sadd.s32 $0x2340, s9;
	[sflag:s17] =	ssyncadd.s32 $0xFFFFC000;
	(pc) =	sbr.rel @p0 .LBB2_4-.Ltmp1, $4  }
0x9b: {  	[tilespmem:s24], [sflag:$0x2] =	stream.indirect.gather [spmem:s1], $0x80, s9, s22, $0xb8;
	[tilespmem:$0x18F40] =	vst v63  }
0x9c: {  	_ =	swait.ge [sflag:s25], $0x4000  }
0x9d: {  	s4 =	sadd.s32 $0x40000, s4;
	s5 =	sadd.s32 $0x200, s5;
	[sflag:s25] =	ssyncset.done $0x0  }
0x9e: {  	s6 =	sadd.s32 $0x80, s6;
	s8 =	sadd.s32 $0x41800, s8;
	[sflag:s25] =	ssyncadd.s32 $0xFFFFC000  }
0x9f: {  	[hbm4b:s8+s3] =	stream.linear.scatter [tilespmem:s30], [sflag:$0x8], $0x4000, $0x38;
	[tilespmem:$0x18F40] =	vst v63  }
0xa0: {  	_ =	swait.ge [sflag:s29], $0x4000  }
0xa1: {  	[sflag:s29] =	ssyncset.done $0x0  }
0xa2: {  	s4 =	simm.s32 $0x87C0;
	[sflag:s29] =	ssyncadd.s32 $0xFFFFC000  }
0xa3: {  	[tilespmem:s26], [sflag:$0x3] =	stream.indirect.gather [spmem:s1], $0x80, s4, s22, $0xb8;
	[tilespmem:$0x18F40] =	vst v63  }
0xa4: {  	_ =	swait.ge [sflag:s28], $0x4000  }
0xa5: {  	[sflag:s28] =	ssyncset.done $0x0  }
0xa6: {  	[sflag:s28] =	ssyncadd.s32 $0xFFFFC000  }
0xa7: {  	[hbm4b:s11+s3] =	stream.linear.scatter [tilespmem:s19], [sflag:$0x5], $0x4000, $0x38;
	[tilespmem:$0x18F40] =	vst v63  }
0xa8: {  	_ =	swait.ge [sflag:s2], $0x4000  }
0xa9: {  	[sflag:s2] =	ssyncset.done $0x0  }
0xaa: {  	s10 =	simm.s32 $0x8BC0;
	[sflag:s2] =	ssyncadd.s32 $0xFFFFC000  }
0xab: {  	[tilespmem:s30], [sflag:$0x4] =	stream.indirect.gather [spmem:s1], $0x80, s10, s22, $0xb8;
	[tilespmem:$0x18F40] =	vst v63  }
0xac: {  	_ =	swait.ge [sflag:s31], $0x4000  }
0xad: {  	[sflag:s31] =	ssyncset.done $0x0  }
0xae: {  	[sflag:s31] =	ssyncadd.s32 $0xFFFFC000  }
0xaf: {  	[hbm4b:s12+s3] =	stream.linear.scatter [tilespmem:s24], [sflag:$0x6], $0x4000, $0x38;
	[tilespmem:$0x18F40] =	vst v63  }
0xb0: {  	_ =	swait.ge [sflag:s16], $0x4000  }
0xb1: {  	[sflag:s16] =	ssyncset.done $0x0  }
0xb2: {  	[sflag:s16] =	ssyncadd.s32 $0xFFFFC000  }
0xb3: {  	[hbm4b:s13+s3] =	stream.linear.scatter [tilespmem:s26], [sflag:$0x7], $0x4000, $0x38;
	[tilespmem:$0x18F40] =	vst v63  }
0xb4: {  	_ =	swait.ge [sflag:s25], $0x4000  }
0xb5: {  	[sflag:s25] =	ssyncset.done $0x0  }
0xb6: {  	[sflag:s25] =	ssyncadd.s32 $0xFFFFC000  }
0xb7: {  	[hbm4b:s14+s3] =	stream.linear.scatter [tilespmem:s30], [sflag:$0x8], $0x4000, $0x38;
	[tilespmem:$0x18F40] =	vst v63  }
0xb8: {  	_ =	swait.ge [sflag:s0], $0x4000  }
0xb9: {  	[sflag:s0] =	ssyncset.done $0x0  }
0xba: {  	[sflag:s0] =	ssyncadd.s32 $0xFFFFC000  }
0xbb: {  	_ =	swait.ge [sflag:s17], $0x4000  }
0xbc: {  	[sflag:s17] =	ssyncset.done $0x0  }
0xbd: {  	s23 =	sadd.s32 $0x1, s23;
	[sflag:s17] =	ssyncadd.s32 $0xFFFFC000  }
0xbe: {  	p0 =	sne.s32 s23, s15;
	_ =	swait.ge [sflag:s29], $0x4000  }
.Ltmp2:
0xbf: {  	[sflag:s29] =	ssyncset.done $0x0;
	(pc) =	sbr.rel @p0 .LBB2_1-.Ltmp2, $4  }
0xc0: {  	[sflag:s29] =	ssyncadd.s32 $0xFFFFC000  }
0xc1: {  	_ =	swait.ge [sflag:s2], $0x4000  }
0xc2: {  	[sflag:s2] =	ssyncset.done $0x0  }
0xc3: {  	[sflag:s2] =	ssyncadd.s32 $0xFFFFC000  }
0xc4: {  	_ =	sfence.sel $0x180000  }
0xc5: {  	[bflag:$0x0] =	sbarrier.arrive $0xFFFF  }
0xc6: {  	_ =	strace $0x90000047  }
0xc7: {  	s0 =	stileid.u32;
	[bflag:$0x2] =	sbarrier.arrive $0xFFFF  }
0xc8: {  	p0 =	sne.s32 s0, $0x0;
	s0 =	rddreg [dreg:$0x4]  }
0xc9: {  	s0 =	sadd.s32 @!p0 $0x100000, s0  }
0xca: {  	[sflag:s0] =	ssyncadd.tile.s32 @!p0 $0x1;
	_ =	shalt  }
.Lfunc_end2:
_tile_overlayer_lowered:
.L_overlay_start_2:
0xcb: {  	(tag) =	ssettag $0x2  }
0xcc: {  	s0 =	rddreg [dreg:$0x0];
	s2 =	stileid.u32  }
0xcd: {  	s1 =	rddreg [dreg:$0x1];
	p0 =	sne.s32 s2, $0x0  }
0xce: {  	s3 =	rddreg [dreg:$0x2];
	[bflag:$0x3] =	sbarrier.arrive $0xFFFF;
	s2 =	simm.s32 @!p0 $0x1C0A  }
0xcf: {  	[timem:s3], [sflag:s2] =	dma.local @!p0 [hbm:s0], s1  }
0xd0: {  	s0 =	simm.s32 @!p0 $0xA  }
0xd1: {  	_ =	swait.ge @!p0 [sflag:s0], s1  }
0xd2: {  	s1 =	ssub.s32 @!p0 $0x0, s1;
	[sflag:s0] =	ssyncset.done @!p0 $0x0  }
0xd3: {  	[sflag:s0] =	ssyncadd.s32 @!p0 s1  }
0xd4: {  	[bflag:$0x3] =	sbarrier.arrive $0xFFFF  }
0xd5: {  	_ =	shalt  }

</sc_bundles>
